<compile_context>
chip_gen: v7x
topology: tpu7x:2x2x1
jax: 0.10.2.dev20260603
libtpu: 0.0.44.dev20260713+nightly
codegen_flags: <defaults>
</compile_context>

<pallas_src>
import functools

import jax
import jax.numpy as jnp
from jax import lax
from jax.experimental import pallas as pl
from jax.experimental.pallas import tpu as pltpu
from jax.experimental.pallas import tpu_sc as plsc

_E = 8
_K = 2
_N = 2048
_D = 1024
_H = 1024

_BT = 256
_NB = _N * _K // _BT + _E
_NSLOT = _NB * _BT

_NC = 2
_NS = 16
_NW = _NC * _NS
_TPW = _N // _NW


def _router_body(x_ref, wg_ref, g0_ref, g1_ref, d0_ref, d1_ref, eid_ref,
                 used_ref, xb_ref):
    x = x_ref[...]
    xb_ref[...] = x.astype(jnp.bfloat16)
    logits = jnp.dot(x, wg_ref[...], preferred_element_type=jnp.float32)
    m = jnp.max(logits, axis=1, keepdims=True)
    p = jnp.exp(logits - m)
    p = p / jnp.sum(p, axis=1, keepdims=True)

    lane = lax.broadcasted_iota(jnp.int32, p.shape, 1)
    v0 = jnp.max(p, axis=1, keepdims=True)
    e0 = jnp.min(jnp.where(p == v0, lane, _E), axis=1, keepdims=True)
    mask0 = lane == e0
    p1 = jnp.where(mask0, -1.0, p)
    v1 = jnp.max(p1, axis=1, keepdims=True)
    e1 = jnp.min(jnp.where(p1 == v1, lane, _E), axis=1, keepdims=True)
    mask1 = lane == e1

    denom = v0 + v1 + 1e-6
    g0_ref[...] = v0 / denom
    g1_ref[...] = v1 / denom

    ind = mask0.astype(jnp.int32) + mask1.astype(jnp.int32)
    s = ind
    sh = 1
    while sh < _N:
        top = jnp.zeros((sh, _E), jnp.int32)
        s = s + jnp.concatenate([top, s[: _N - sh, :]], axis=0)
        sh *= 2
    excl = s - ind
    cnt = s[_N - 1:_N, :]

    nb = (cnt + (_BT - 1)) // _BT
    s2 = nb
    sh = 1
    while sh < _E:
        left = jnp.zeros((1, sh), jnp.int32)
        s2 = s2 + jnp.concatenate([left, s2[:, : _E - sh]], axis=1)
        sh *= 2
    blkoff = s2 - nb

    base = blkoff * _BT
    base_b = jnp.broadcast_to(base, (_N, _E))
    rank0 = jnp.sum(jnp.where(mask0, excl + base_b, 0), axis=1, keepdims=True)
    rank1 = jnp.sum(jnp.where(mask1, excl + base_b, 0), axis=1, keepdims=True)
    d0_ref[...] = rank0
    d1_ref[...] = rank1

    blk = lax.broadcasted_iota(jnp.int32, (_NB, _E), 0)
    eid_ref[...] = jnp.sum((jnp.broadcast_to(blkoff, (_NB, _E)) <= blk)
                           .astype(jnp.int32), axis=1, keepdims=True) - 1
    used_ref[...] = blkoff[:, _E - 1:_E] + nb[:, _E - 1:_E]


def _router(x, w_gate):
    return pl.pallas_call(
        _router_body,
        in_specs=[
            pl.BlockSpec((_N, _D), lambda: (0, 0)),
            pl.BlockSpec((_D, _E), lambda: (0, 0)),
        ],
        out_specs=[
            pl.BlockSpec((_N, 1), lambda: (0, 0)),
            pl.BlockSpec((_N, 1), lambda: (0, 0)),
            pl.BlockSpec((_N, 1), lambda: (0, 0)),
            pl.BlockSpec((_N, 1), lambda: (0, 0)),
            pl.BlockSpec((_NB, 1), lambda: (0, 0)),
            pl.BlockSpec((1, 1), lambda: (0, 0)),
            pl.BlockSpec((_N, _D), lambda: (0, 0)),
        ],
        out_shape=[
            jax.ShapeDtypeStruct((_N, 1), jnp.float32),
            jax.ShapeDtypeStruct((_N, 1), jnp.float32),
            jax.ShapeDtypeStruct((_N, 1), jnp.int32),
            jax.ShapeDtypeStruct((_N, 1), jnp.int32),
            jax.ShapeDtypeStruct((_NB, 1), jnp.int32),
            jax.ShapeDtypeStruct((1, 1), jnp.int32),
            jax.ShapeDtypeStruct((_N, _D), jnp.bfloat16),
        ],
    )(x, w_gate)


def _dispatch(x, d0, d1):
    mesh = plsc.VectorSubcoreMesh(core_axis_name="c", subcore_axis_name="s")

    @functools.partial(
        pl.kernel, mesh=mesh,
        out_type=jax.ShapeDtypeStruct((_NSLOT, _D // 2), jnp.int32),
        scratch_types=[
            pltpu.VMEM((_TPW,), jnp.int32),
            pltpu.VMEM((_TPW,), jnp.int32),
            pltpu.VMEM((_TPW, _D // 2), jnp.int32),
            pltpu.SemaphoreType.DMA,
        ],
    )
    def k(x_hbm, d0_hbm, d1_hbm, xg_hbm, i0_v, i1_v, rows_v, sem):
        wid = lax.axis_index("s") * _NC + lax.axis_index("c")
        base = wid * _TPW
        l0 = pltpu.async_copy(d0_hbm.at[pl.ds(base, _TPW)], i0_v, sem)
        l1 = pltpu.async_copy(d1_hbm.at[pl.ds(base, _TPW)], i1_v, sem)
        lx = pltpu.async_copy(x_hbm.at[pl.ds(base, _TPW)], rows_v, sem)
        l0.wait()
        l1.wait()
        lx.wait()
        c0 = pltpu.async_copy(rows_v, xg_hbm.at[i0_v], sem)
        c1 = pltpu.async_copy(rows_v, xg_hbm.at[i1_v], sem)
        c0.wait()
        c1.wait()

    return k(x, d0, d1)


def _experts_body(eid_ref, used_ref, xg_ref, w1_ref, b1_ref, w2_ref, b2_ref,
                  w3_ref, b3_ref, y_ref):
    i = pl.program_id(0)

    @pl.when(i < used_ref[0])
    def _compute():
        e = eid_ref[i]
        scale = lax.shift_left(1, e).astype(jnp.float32)
        h = jnp.tanh(jnp.dot(xg_ref[...].astype(jnp.float32) * scale,
                             w1_ref[0],
                             preferred_element_type=jnp.float32) + b1_ref[0])
        h = jnp.tanh(jnp.dot(h, w2_ref[0],
                             preferred_element_type=jnp.float32) + b2_ref[0])
        y_ref[...] = (jnp.sum(h * w3_ref[0], axis=1, keepdims=True)
                      + b3_ref[0, 0, 0])


def _experts(xg, blk_eid, used, W1, b1r, W2, b2r, w3r, b3r):
    grid_spec = pltpu.PrefetchScalarGridSpec(
        num_scalar_prefetch=2,
        grid=(_NB,),
        in_specs=[
            pl.BlockSpec((_BT, _D), lambda i, eid, used: (i, 0)),
            pl.BlockSpec((1, _D, _H), lambda i, eid, used: (eid[i], 0, 0)),
            pl.BlockSpec((1, 1, _H), lambda i, eid, used: (eid[i], 0, 0)),
            pl.BlockSpec((1, _H, _H), lambda i, eid, used: (eid[i], 0, 0)),
            pl.BlockSpec((1, 1, _H), lambda i, eid, used: (eid[i], 0, 0)),
            pl.BlockSpec((1, 1, _H), lambda i, eid, used: (eid[i], 0, 0)),
            pl.BlockSpec((1, 1, 1), lambda i, eid, used: (eid[i], 0, 0)),
        ],
        out_specs=pl.BlockSpec((_BT, 1), lambda i, eid, used: (i, 0)),
    )
    return pl.pallas_call(
        _experts_body,
        grid_spec=grid_spec,
        out_shape=jax.ShapeDtypeStruct((_NSLOT, 1), jnp.float32),
    )(blk_eid, used, xg, W1, b1r, W2, b2r, w3r, b3r)


def _combine(y, d0, d1, g0, g1):
    mesh = plsc.VectorSubcoreMesh(core_axis_name="c", subcore_axis_name="s")

    @functools.partial(
        pl.kernel, mesh=mesh,
        out_type=jax.ShapeDtypeStruct((_N,), jnp.float32),
        scratch_types=[
            pltpu.VMEM((_TPW,), jnp.int32),
            pltpu.VMEM((_TPW,), jnp.int32),
            pltpu.VMEM((_TPW,), jnp.float32),
            pltpu.VMEM((_TPW,), jnp.float32),
            pltpu.VMEM((_TPW,), jnp.float32),
            pltpu.VMEM((_TPW,), jnp.float32),
            pltpu.VMEM((_TPW,), jnp.float32),
            pltpu.SemaphoreType.DMA,
        ],
    )
    def k(y_hbm, d0_hbm, d1_hbm, g0_hbm, g1_hbm, out_hbm,
          i0_v, i1_v, g0_v, g1_v, y0_v, y1_v, o_v, sem):
        wid = lax.axis_index("s") * _NC + lax.axis_index("c")
        base = wid * _TPW
        pltpu.sync_copy(d0_hbm.at[pl.ds(base, _TPW)], i0_v)
        pltpu.sync_copy(d1_hbm.at[pl.ds(base, _TPW)], i1_v)
        pltpu.sync_copy(g0_hbm.at[pl.ds(base, _TPW)], g0_v)
        pltpu.sync_copy(g1_hbm.at[pl.ds(base, _TPW)], g1_v)
        c0 = pltpu.async_copy(y_hbm.at[i0_v], y0_v, sem)
        c1 = pltpu.async_copy(y_hbm.at[i1_v], y1_v, sem)
        c0.wait()
        c1.wait()
        for j in range(_TPW // 16):
            sl = pl.ds(j * 16, 16)
            o_v[sl] = g0_v[sl] * y0_v[sl] + g1_v[sl] * y1_v[sl]
        pltpu.sync_copy(o_v, out_hbm.at[pl.ds(base, _TPW)])

    return k(y, d0, d1, g0, g1)


@jax.jit
def kernel(x, w_gate, W1, b1, W2, b2, W3, b3):
    w3r = W3[:, :, 0].reshape(_E, 1, _H)
    b1r = b1.reshape(_E, 1, _H)
    b2r = b2.reshape(_E, 1, _H)
    b3r = b3.reshape(_E, 1, 1)

    g0, g1, d0, d1, blk_eid, used, xb = _router(x, w_gate)
    d0 = d0.reshape(_N)
    d1 = d1.reshape(_N)
    xbi = lax.bitcast_convert_type(xb.reshape(_N, _D // 2, 2), jnp.int32)
    xg = _dispatch(xbi, d0, d1)
    xg = lax.bitcast_convert_type(xg, jnp.bfloat16).reshape(_NSLOT, _D)
    y = _experts(xg, blk_eid.reshape(_NB), used.reshape(1), W1, b1r, W2,
                 b2r, w3r, b3r)
    out = _combine(y.reshape(_NSLOT), d0, d1, g0.reshape(_N), g1.reshape(_N))
    return out.reshape(_N, 1)

# --- scband reference (transcript-rebuilt; emitter-appended) ---
"""Pipeline reference for scband-mo-e-multi-scale-37237366456569 (READ-ONLY COPY).

The authoritative reference and input builder live on the scoring server;
editing this copy changes nothing except your own understanding.
"""

import jax, jax.numpy as jnp
import numpy as np

E = 8
K = 2
D = 1024
H = 1024
N = 2048
SCALES = jnp.array([1.0, 2.0, 4.0, 8.0, 16.0, 32.0, 64.0, 128.0], dtype=jnp.float32)


def setup_inputs(seed: int = 0) -> dict:
    key = jax.random.key(seed)
    def nk(i):
        return jax.random.fold_in(key, i)
    x = jax.random.normal(nk(0), (N, D), dtype=jnp.float32)
    w_gate = jax.random.normal(nk(1), (D, E), dtype=jnp.float32) * 0.02
    W1 = jax.random.normal(nk(2), (E, D, H), dtype=jnp.float32) * (1.0 / np.sqrt(D))
    b1 = jnp.zeros((E, H), dtype=jnp.float32)
    W2 = jax.random.normal(nk(3), (E, H, H), dtype=jnp.float32) * (1.0 / np.sqrt(H))
    b2 = jnp.zeros((E, H), dtype=jnp.float32)
    W3 = jax.random.normal(nk(4), (E, H, 1), dtype=jnp.float32) * (1.0 / np.sqrt(H))
    b3 = jnp.zeros((E, 1), dtype=jnp.float32)
    return {"x": x, "w_gate": w_gate, "W1": W1, "b1": b1, "W2": W2, "b2": b2, "W3": W3, "b3": b3}


def reference(x, w_gate, W1, b1, W2, b2, W3, b3):
    n = x.shape[0]
    # noisy top-k gating, eval mode (no noise): softmax -> top (k+1) -> take k -> renormalize
    clean_logits = x @ w_gate
    probs = jax.nn.softmax(clean_logits, axis=-1)
    top_logits, top_indices = jax.lax.top_k(probs, K + 1)
    top_k_logits = top_logits[:, :K]
    top_k_indices = top_indices[:, :K]
    top_k_gates = top_k_logits / (jnp.sum(top_k_logits, axis=-1, keepdims=True) + 1e-6)
    gates = jnp.zeros((n, E), dtype=x.dtype).at[jnp.arange(n)[:, None], top_k_indices].set(top_k_gates)

    # each expert is a Single_MLP: x*scale -> Linear -> tanh -> Linear -> tanh -> Linear(->1)
    def expert(e):
        h = x * SCALES[e]
        h = jnp.tanh(h @ W1[e] + b1[e])
        h = jnp.tanh(h @ W2[e] + b2[e])
        return h @ W3[e] + b3[e]

    ys = jnp.stack([expert(e) for e in range(E)], axis=0)  # [E, N, 1]
    out = jnp.einsum("ne,enj->nj", gates, ys)  # weighted combine (zero gates drop experts)
    return out

if __name__ == "__main__":
    import jax
    _d = setup_inputs()
    print(jax.jit(kernel)(*tuple(_d.values())))

</pallas_src>

<mosaic_0001>
#map = affine_map<(d0, d1) -> (0)>
module attributes {stable_mosaic.version = 14 : i64} {
  func.func @k(%arg0: i32, %arg1: i32, %arg2: memref<6144xf32, #tpu.memory_space<hbm>>, %arg3: memref<2048xi32, #tpu.memory_space<hbm>>, %arg4: memref<2048xi32, #tpu.memory_space<hbm>>, %arg5: memref<2048xf32, #tpu.memory_space<hbm>>, %arg6: memref<2048xf32, #tpu.memory_space<hbm>>, %arg7: memref<2048xf32, #tpu.memory_space<hbm>>, %arg8: memref<64xi32, #tpu.memory_space<vmem>>, %arg9: memref<64xi32, #tpu.memory_space<vmem>>, %arg10: memref<64xf32, #tpu.memory_space<vmem>>, %arg11: memref<64xf32, #tpu.memory_space<vmem>>, %arg12: memref<64xf32, #tpu.memory_space<vmem>>, %arg13: memref<64xf32, #tpu.memory_space<vmem>>, %arg14: memref<64xf32, #tpu.memory_space<vmem>>, %arg15: memref<!tpu.dma_semaphore, #tpu.memory_space<semaphore_mem>>) attributes {dimension_semantics = [#tpu.dimension_semantics<core_parallel>, #tpu.dimension_semantics<subcore_parallel>], iteration_bounds = array<i64: 2, 16>, scalar_prefetch = 0 : i64, scratch_operands = 8 : i64, tpu.core_type = #tpu.core_type<sc_vector_subcore>, window_params = [{transform_indices = #map}, {transform_indices = #map}, {transform_indices = #map}, {transform_indices = #map}, {transform_indices = #map}, {transform_indices = #map}]} {
    %mul3A = arith.constant 2 : i32
    %mul3A_0 = arith.muli %arg1, %mul3A : i32
    %add3A = arith.addi %mul3A_0, %arg0 : i32
    %mul3A_1 = arith.constant 64 : i32
    %mul3A_2 = arith.muli %add3A, %mul3A_1 : i32
    "tpu.region"() ({
      %run_scoped3A = tpu.sem_alloc : memref<!tpu.dma_semaphore, #tpu.memory_space<semaphore_mem>>
      %dma_start3A_83 = tpu.memref_slice %arg3[%mul3A_2] : memref<2048xi32, #tpu.memory_space<hbm>> -> memref<64xi32, #tpu.memory_space<hbm>>
      %dma_start3A_84 = tpu.memref_slice %arg3[%mul3A_2] : memref<2048xi32, #tpu.memory_space<hbm>> -> memref<64xi32, #tpu.memory_space<hbm>>
      tpu.enqueue_dma source(%dma_start3A_84 : memref<64xi32, #tpu.memory_space<hbm>>) target(%arg8 : memref<64xi32, #tpu.memory_space<vmem>>) target_semaphore(%run_scoped3A : memref<!tpu.dma_semaphore, #tpu.memory_space<semaphore_mem>>)
      %dma_wait3A_85 = tpu.memref_slice %arg3[%mul3A_2] : memref<2048xi32, #tpu.memory_space<hbm>> -> memref<64xi32, #tpu.memory_space<hbm>>
      %dma_wait3A_86 = tpu.memref_slice %arg3[%mul3A_2] : memref<2048xi32, #tpu.memory_space<hbm>> -> memref<64xi32, #tpu.memory_space<hbm>>
      tpu.wait_dma2 semaphore(%run_scoped3A : memref<!tpu.dma_semaphore, #tpu.memory_space<semaphore_mem>>) src(%dma_wait3A_86 : memref<64xi32, #tpu.memory_space<hbm>>) dst(%arg8 : memref<64xi32, #tpu.memory_space<vmem>>)
      tpu.yield
    }) : () -> ()
    "tpu.region"() ({
      %run_scoped3A = tpu.sem_alloc : memref<!tpu.dma_semaphore, #tpu.memory_space<semaphore_mem>>
      %dma_start3A_83 = tpu.memref_slice %arg4[%mul3A_2] : memref<2048xi32, #tpu.memory_space<hbm>> -> memref<64xi32, #tpu.memory_space<hbm>>
      %dma_start3A_84 = tpu.memref_slice %arg4[%mul3A_2] : memref<2048xi32, #tpu.memory_space<hbm>> -> memref<64xi32, #tpu.memory_space<hbm>>
      tpu.enqueue_dma source(%dma_start3A_84 : memref<64xi32, #tpu.memory_space<hbm>>) target(%arg9 : memref<64xi32, #tpu.memory_space<vmem>>) target_semaphore(%run_scoped3A : memref<!tpu.dma_semaphore, #tpu.memory_space<semaphore_mem>>)
      %dma_wait3A_85 = tpu.memref_slice %arg4[%mul3A_2] : memref<2048xi32, #tpu.memory_space<hbm>> -> memref<64xi32, #tpu.memory_space<hbm>>
      %dma_wait3A_86 = tpu.memref_slice %arg4[%mul3A_2] : memref<2048xi32, #tpu.memory_space<hbm>> -> memref<64xi32, #tpu.memory_space<hbm>>
      tpu.wait_dma2 semaphore(%run_scoped3A : memref<!tpu.dma_semaphore, #tpu.memory_space<semaphore_mem>>) src(%dma_wait3A_86 : memref<64xi32, #tpu.memory_space<hbm>>) dst(%arg9 : memref<64xi32, #tpu.memory_space<vmem>>)
      tpu.yield
    }) : () -> ()
    "tpu.region"() ({
      %run_scoped3A = tpu.sem_alloc : memref<!tpu.dma_semaphore, #tpu.memory_space<semaphore_mem>>
      %dma_start3A_83 = tpu.memref_slice %arg5[%mul3A_2] : memref<2048xf32, #tpu.memory_space<hbm>> -> memref<64xf32, #tpu.memory_space<hbm>>
      %dma_start3A_84 = tpu.memref_slice %arg5[%mul3A_2] : memref<2048xf32, #tpu.memory_space<hbm>> -> memref<64xf32, #tpu.memory_space<hbm>>
      tpu.enqueue_dma source(%dma_start3A_84 : memref<64xf32, #tpu.memory_space<hbm>>) target(%arg10 : memref<64xf32, #tpu.memory_space<vmem>>) target_semaphore(%run_scoped3A : memref<!tpu.dma_semaphore, #tpu.memory_space<semaphore_mem>>)
      %dma_wait3A_85 = tpu.memref_slice %arg5[%mul3A_2] : memref<2048xf32, #tpu.memory_space<hbm>> -> memref<64xf32, #tpu.memory_space<hbm>>
      %dma_wait3A_86 = tpu.memref_slice %arg5[%mul3A_2] : memref<2048xf32, #tpu.memory_space<hbm>> -> memref<64xf32, #tpu.memory_space<hbm>>
      tpu.wait_dma2 semaphore(%run_scoped3A : memref<!tpu.dma_semaphore, #tpu.memory_space<semaphore_mem>>) src(%dma_wait3A_86 : memref<64xf32, #tpu.memory_space<hbm>>) dst(%arg10 : memref<64xf32, #tpu.memory_space<vmem>>)
      tpu.yield
    }) : () -> ()
    "tpu.region"() ({
      %run_scoped3A = tpu.sem_alloc : memref<!tpu.dma_semaphore, #tpu.memory_space<semaphore_mem>>
      %dma_start3A_83 = tpu.memref_slice %arg6[%mul3A_2] : memref<2048xf32, #tpu.memory_space<hbm>> -> memref<64xf32, #tpu.memory_space<hbm>>
      %dma_start3A_84 = tpu.memref_slice %arg6[%mul3A_2] : memref<2048xf32, #tpu.memory_space<hbm>> -> memref<64xf32, #tpu.memory_space<hbm>>
      tpu.enqueue_dma source(%dma_start3A_84 : memref<64xf32, #tpu.memory_space<hbm>>) target(%arg11 : memref<64xf32, #tpu.memory_space<vmem>>) target_semaphore(%run_scoped3A : memref<!tpu.dma_semaphore, #tpu.memory_space<semaphore_mem>>)
      %dma_wait3A_85 = tpu.memref_slice %arg6[%mul3A_2] : memref<2048xf32, #tpu.memory_space<hbm>> -> memref<64xf32, #tpu.memory_space<hbm>>
      %dma_wait3A_86 = tpu.memref_slice %arg6[%mul3A_2] : memref<2048xf32, #tpu.memory_space<hbm>> -> memref<64xf32, #tpu.memory_space<hbm>>
      tpu.wait_dma2 semaphore(%run_scoped3A : memref<!tpu.dma_semaphore, #tpu.memory_space<semaphore_mem>>) src(%dma_wait3A_86 : memref<64xf32, #tpu.memory_space<hbm>>) dst(%arg11 : memref<64xf32, #tpu.memory_space<vmem>>)
      tpu.yield
    }) : () -> ()
    %dma_start3A = arith.constant 0 : i32
    %dma_start3A_3 = tpu.memref_slice %arg2[%dma_start3A] : memref<6144xf32, #tpu.memory_space<hbm>> -> memref<6144xf32, #tpu.memory_space<hbm>>
    tpu.enqueue_indirect_dma source(%dma_start3A_3 : memref<6144xf32, #tpu.memory_space<hbm>>) target(%arg12 : memref<64xf32, #tpu.memory_space<vmem>>) offsets(%arg8 : memref<64xi32, #tpu.memory_space<vmem>>) semaphore(%arg15 : memref<!tpu.dma_semaphore, #tpu.memory_space<semaphore_mem>>)
    %dma_start3A_4 = arith.constant 0 : i32
    %dma_start3A_5 = tpu.memref_slice %arg2[%dma_start3A_4] : memref<6144xf32, #tpu.memory_space<hbm>> -> memref<6144xf32, #tpu.memory_space<hbm>>
    tpu.enqueue_indirect_dma source(%dma_start3A_5 : memref<6144xf32, #tpu.memory_space<hbm>>) target(%arg13 : memref<64xf32, #tpu.memory_space<vmem>>) offsets(%arg9 : memref<64xi32, #tpu.memory_space<vmem>>) semaphore(%arg15 : memref<!tpu.dma_semaphore, #tpu.memory_space<semaphore_mem>>)
    %dma_wait3A = arith.constant 0 : i32
    %dma_wait3A_6 = tpu.memref_slice %arg2[%dma_wait3A] : memref<6144xf32, #tpu.memory_space<hbm>> -> memref<6144xf32, #tpu.memory_space<hbm>>
    tpu.wait_indirect_dma semaphore(%arg15 : memref<!tpu.dma_semaphore, #tpu.memory_space<semaphore_mem>>) src(%dma_wait3A_6 : memref<6144xf32, #tpu.memory_space<hbm>>) dst(%arg12 : memref<64xf32, #tpu.memory_space<vmem>>)
    %dma_wait3A_7 = arith.constant 0 : i32
    %dma_wait3A_8 = tpu.memref_slice %arg2[%dma_wait3A_7] : memref<6144xf32, #tpu.memory_space<hbm>> -> memref<6144xf32, #tpu.memory_space<hbm>>
    tpu.wait_indirect_dma semaphore(%arg15 : memref<!tpu.dma_semaphore, #tpu.memory_space<semaphore_mem>>) src(%dma_wait3A_8 : memref<6144xf32, #tpu.memory_space<hbm>>) dst(%arg13 : memref<64xf32, #tpu.memory_space<vmem>>)
    %get3A = arith.constant 0 : index
    %get3A_9 = tpu.vector_load %arg10[%get3A] {strides = array<i32>} : memref<64xf32, #tpu.memory_space<vmem>>, vector<16xf32>,
    %get3A_10 = vector.shape_cast %get3A_9 : vector<16xf32> to vector<16xf32>
    %get3A_11 = arith.constant 0 : index
    %get3A_12 = tpu.vector_load %arg12[%get3A_11] {strides = array<i32>} : memref<64xf32, #tpu.memory_space<vmem>>, vector<16xf32>,
    %get3A_13 = vector.shape_cast %get3A_12 : vector<16xf32> to vector<16xf32>
    %mul3A_14 = arith.mulf %get3A_10, %get3A_13 : vector<16xf32>
    %get3A_15 = arith.constant 0 : index
    %get3A_16 = tpu.vector_load %arg11[%get3A_15] {strides = array<i32>} : memref<64xf32, #tpu.memory_space<vmem>>, vector<16xf32>,
    %get3A_17 = vector.shape_cast %get3A_16 : vector<16xf32> to vector<16xf32>
    %get3A_18 = arith.constant 0 : index
    %get3A_19 = tpu.vector_load %arg13[%get3A_18] {strides = array<i32>} : memref<64xf32, #tpu.memory_space<vmem>>, vector<16xf32>,
    %get3A_20 = vector.shape_cast %get3A_19 : vector<16xf32> to vector<16xf32>
    %mul3A_21 = arith.mulf %get3A_17, %get3A_20 : vector<16xf32>
    %add3A_22 = arith.addf %mul3A_14, %mul3A_21 : vector<16xf32>
    %swap3A = arith.constant 0 : index
    %swap3A_23 = tpu.vector_load %arg14[%swap3A] {strides = array<i32>} : memref<64xf32, #tpu.memory_space<vmem>>, vector<16xf32>,
    %swap3A_24 = vector.shape_cast %swap3A_23 : vector<16xf32> to vector<16xf32>
    %swap3A_25 = vector.shape_cast %add3A_22 : vector<16xf32> to vector<16xf32>
    tpu.vector_store %arg14[%swap3A], %swap3A_25 {strides = array<i32>} : memref<64xf32, #tpu.memory_space<vmem>>, vector<16xf32>,
    %get3A_26 = arith.constant 16 : index
    %get3A_27 = tpu.vector_load %arg10[%get3A_26] {strides = array<i32>} : memref<64xf32, #tpu.memory_space<vmem>>, vector<16xf32>,
    %get3A_28 = vector.shape_cast %get3A_27 : vector<16xf32> to vector<16xf32>
    %get3A_29 = arith.constant 16 : index
    %get3A_30 = tpu.vector_load %arg12[%get3A_29] {strides = array<i32>} : memref<64xf32, #tpu.memory_space<vmem>>, vector<16xf32>,
    %get3A_31 = vector.shape_cast %get3A_30 : vector<16xf32> to vector<16xf32>
    %mul3A_32 = arith.mulf %get3A_28, %get3A_31 : vector<16xf32>
    %get3A_33 = arith.constant 16 : index
    %get3A_34 = tpu.vector_load %arg11[%get3A_33] {strides = array<i32>} : memref<64xf32, #tpu.memory_space<vmem>>, vector<16xf32>,
    %get3A_35 = vector.shape_cast %get3A_34 : vector<16xf32> to vector<16xf32>
    %get3A_36 = arith.constant 16 : index
    %get3A_37 = tpu.vector_load %arg13[%get3A_36] {strides = array<i32>} : memref<64xf32, #tpu.memory_space<vmem>>, vector<16xf32>,
    %get3A_38 = vector.shape_cast %get3A_37 : vector<16xf32> to vector<16xf32>
    %mul3A_39 = arith.mulf %get3A_35, %get3A_38 : vector<16xf32>
    %add3A_40 = arith.addf %mul3A_32, %mul3A_39 : vector<16xf32>
    %swap3A_41 = arith.constant 16 : index
    %swap3A_42 = tpu.vector_load %arg14[%swap3A_41] {strides = array<i32>} : memref<64xf32, #tpu.memory_space<vmem>>, vector<16xf32>,
    %swap3A_43 = vector.shape_cast %swap3A_42 : vector<16xf32> to vector<16xf32>
    %swap3A_44 = vector.shape_cast %add3A_40 : vector<16xf32> to vector<16xf32>
    tpu.vector_store %arg14[%swap3A_41], %swap3A_44 {strides = array<i32>} : memref<64xf32, #tpu.memory_space<vmem>>, vector<16xf32>,
    %get3A_45 = arith.constant 32 : index
    %get3A_46 = tpu.vector_load %arg10[%get3A_45] {strides = array<i32>} : memref<64xf32, #tpu.memory_space<vmem>>, vector<16xf32>,
    %get3A_47 = vector.shape_cast %get3A_46 : vector<16xf32> to vector<16xf32>
    %get3A_48 = arith.constant 32 : index
    %get3A_49 = tpu.vector_load %arg12[%get3A_48] {strides = array<i32>} : memref<64xf32, #tpu.memory_space<vmem>>, vector<16xf32>,
    %get3A_50 = vector.shape_cast %get3A_49 : vector<16xf32> to vector<16xf32>
    %mul3A_51 = arith.mulf %get3A_47, %get3A_50 : vector<16xf32>
    %get3A_52 = arith.constant 32 : index
    %get3A_53 = tpu.vector_load %arg11[%get3A_52] {strides = array<i32>} : memref<64xf32, #tpu.memory_space<vmem>>, vector<16xf32>,
    %get3A_54 = vector.shape_cast %get3A_53 : vector<16xf32> to vector<16xf32>
    %get3A_55 = arith.constant 32 : index
    %get3A_56 = tpu.vector_load %arg13[%get3A_55] {strides = array<i32>} : memref<64xf32, #tpu.memory_space<vmem>>, vector<16xf32>,
    %get3A_57 = vector.shape_cast %get3A_56 : vector<16xf32> to vector<16xf32>
    %mul3A_58 = arith.mulf %get3A_54, %get3A_57 : vector<16xf32>
    %add3A_59 = arith.addf %mul3A_51, %mul3A_58 : vector<16xf32>
    %swap3A_60 = arith.constant 32 : index
    %swap3A_61 = tpu.vector_load %arg14[%swap3A_60] {strides = array<i32>} : memref<64xf32, #tpu.memory_space<vmem>>, vector<16xf32>,
    %swap3A_62 = vector.shape_cast %swap3A_61 : vector<16xf32> to vector<16xf32>
    %swap3A_63 = vector.shape_cast %add3A_59 : vector<16xf32> to vector<16xf32>
    tpu.vector_store %arg14[%swap3A_60], %swap3A_63 {strides = array<i32>} : memref<64xf32, #tpu.memory_space<vmem>>, vector<16xf32>,
    %get3A_64 = arith.constant 48 : index
    %get3A_65 = tpu.vector_load %arg10[%get3A_64] {strides = array<i32>} : memref<64xf32, #tpu.memory_space<vmem>>, vector<16xf32>,
    %get3A_66 = vector.shape_cast %get3A_65 : vector<16xf32> to vector<16xf32>
    %get3A_67 = arith.constant 48 : index
    %get3A_68 = tpu.vector_load %arg12[%get3A_67] {strides = array<i32>} : memref<64xf32, #tpu.memory_space<vmem>>, vector<16xf32>,
    %get3A_69 = vector.shape_cast %get3A_68 : vector<16xf32> to vector<16xf32>
    %mul3A_70 = arith.mulf %get3A_66, %get3A_69 : vector<16xf32>
    %get3A_71 = arith.constant 48 : index
    %get3A_72 = tpu.vector_load %arg11[%get3A_71] {strides = array<i32>} : memref<64xf32, #tpu.memory_space<vmem>>, vector<16xf32>,
    %get3A_73 = vector.shape_cast %get3A_72 : vector<16xf32> to vector<16xf32>
    %get3A_74 = arith.constant 48 : index
    %get3A_75 = tpu.vector_load %arg13[%get3A_74] {strides = array<i32>} : memref<64xf32, #tpu.memory_space<vmem>>, vector<16xf32>,
    %get3A_76 = vector.shape_cast %get3A_75 : vector<16xf32> to vector<16xf32>
    %mul3A_77 = arith.mulf %get3A_73, %get3A_76 : vector<16xf32>
    %add3A_78 = arith.addf %mul3A_70, %mul3A_77 : vector<16xf32>
    %swap3A_79 = arith.constant 48 : index
    %swap3A_80 = tpu.vector_load %arg14[%swap3A_79] {strides = array<i32>} : memref<64xf32, #tpu.memory_space<vmem>>, vector<16xf32>,
    %swap3A_81 = vector.shape_cast %swap3A_80 : vector<16xf32> to vector<16xf32>
    %swap3A_82 = vector.shape_cast %add3A_78 : vector<16xf32> to vector<16xf32>
    tpu.vector_store %arg14[%swap3A_79], %swap3A_82 {strides = array<i32>} : memref<64xf32, #tpu.memory_space<vmem>>, vector<16xf32>,
    "tpu.region"() ({
      %run_scoped3A = tpu.sem_alloc : memref<!tpu.dma_semaphore, #tpu.memory_space<semaphore_mem>>
      %dma_start3A_83 = tpu.memref_slice %arg7[%mul3A_2] : memref<2048xf32, #tpu.memory_space<hbm>> -> memref<64xf32, #tpu.memory_space<hbm>>
      %dma_start3A_84 = tpu.memref_slice %arg7[%mul3A_2] : memref<2048xf32, #tpu.memory_space<hbm>> -> memref<64xf32, #tpu.memory_space<hbm>>
      tpu.enqueue_dma source(%arg14 : memref<64xf32, #tpu.memory_space<vmem>>) target(%dma_start3A_84 : memref<64xf32, #tpu.memory_space<hbm>>) target_semaphore(%run_scoped3A : memref<!tpu.dma_semaphore, #tpu.memory_space<semaphore_mem>>)
      %dma_wait3A_85 = tpu.memref_slice %arg7[%mul3A_2] : memref<2048xf32, #tpu.memory_space<hbm>> -> memref<64xf32, #tpu.memory_space<hbm>>
      %dma_wait3A_86 = tpu.memref_slice %arg7[%mul3A_2] : memref<2048xf32, #tpu.memory_space<hbm>> -> memref<64xf32, #tpu.memory_space<hbm>>
      tpu.wait_dma2 semaphore(%run_scoped3A : memref<!tpu.dma_semaphore, #tpu.memory_space<semaphore_mem>>) src(%arg14 : memref<64xf32, #tpu.memory_space<vmem>>) dst(%dma_wait3A_86 : memref<64xf32, #tpu.memory_space<hbm>>)
      tpu.yield
    }) : () -> ()
    return
  }
}

#map = affine_map<(d0, d1) -> (0, 0)>
#map1 = affine_map<(d0, d1) -> (0)>
module attributes {stable_mosaic.version = 14 : i64} {
  func.func @k(%arg0: i32, %arg1: i32, %arg2: memref<2048x512xi32, #tpu.memory_space<hbm>>, %arg3: memref<2048xi32, #tpu.memory_space<hbm>>, %arg4: memref<2048xi32, #tpu.memory_space<hbm>>, %arg5: memref<6144x512xi32, #tpu.memory_space<hbm>>, %arg6: memref<64xi32, #tpu.memory_space<vmem>>, %arg7: memref<64xi32, #tpu.memory_space<vmem>>, %arg8: memref<64x512xi32, #tpu.memory_space<vmem>>, %arg9: memref<!tpu.dma_semaphore, #tpu.memory_space<semaphore_mem>>) attributes {dimension_semantics = [#tpu.dimension_semantics<core_parallel>, #tpu.dimension_semantics<subcore_parallel>], iteration_bounds = array<i64: 2, 16>, scalar_prefetch = 0 : i64, scratch_operands = 4 : i64, tpu.core_type = #tpu.core_type<sc_vector_subcore>, window_params = [{transform_indices = #map}, {transform_indices = #map1}, {transform_indices = #map1}, {transform_indices = #map}]} {
    %mul3A = arith.constant 2 : i32
    %mul3A_0 = arith.muli %arg1, %mul3A : i32
    %add3A = arith.addi %mul3A_0, %arg0 : i32
    %mul3A_1 = arith.constant 64 : i32
    %mul3A_2 = arith.muli %add3A, %mul3A_1 : i32
    %dma_start3A = tpu.memref_slice %arg3[%mul3A_2] : memref<2048xi32, #tpu.memory_space<hbm>> -> memref<64xi32, #tpu.memory_space<hbm>>
    %dma_start3A_3 = tpu.memref_slice %arg3[%mul3A_2] : memref<2048xi32, #tpu.memory_space<hbm>> -> memref<64xi32, #tpu.memory_space<hbm>>
    tpu.enqueue_dma source(%dma_start3A_3 : memref<64xi32, #tpu.memory_space<hbm>>) target(%arg6 : memref<64xi32, #tpu.memory_space<vmem>>) target_semaphore(%arg9 : memref<!tpu.dma_semaphore, #tpu.memory_space<semaphore_mem>>)
    %dma_start3A_4 = tpu.memref_slice %arg4[%mul3A_2] : memref<2048xi32, #tpu.memory_space<hbm>> -> memref<64xi32, #tpu.memory_space<hbm>>
    %dma_start3A_5 = tpu.memref_slice %arg4[%mul3A_2] : memref<2048xi32, #tpu.memory_space<hbm>> -> memref<64xi32, #tpu.memory_space<hbm>>
    tpu.enqueue_dma source(%dma_start3A_5 : memref<64xi32, #tpu.memory_space<hbm>>) target(%arg7 : memref<64xi32, #tpu.memory_space<vmem>>) target_semaphore(%arg9 : memref<!tpu.dma_semaphore, #tpu.memory_space<semaphore_mem>>)
    %dma_start3A_6 = arith.constant 0 : i32
    %dma_start3A_7 = tpu.memref_slice %arg2[%mul3A_2, %dma_start3A_6] : memref<2048x512xi32, #tpu.memory_space<hbm>> -> memref<64x512xi32, #tpu.memory_space<hbm>>
    %dma_start3A_8 = arith.constant 0 : i32
    %dma_start3A_9 = tpu.memref_slice %arg2[%mul3A_2, %dma_start3A_8] : memref<2048x512xi32, #tpu.memory_space<hbm>> -> memref<64x512xi32, #tpu.memory_space<hbm>>
    tpu.enqueue_dma source(%dma_start3A_9 : memref<64x512xi32, #tpu.memory_space<hbm>>) target(%arg8 : memref<64x512xi32, #tpu.memory_space<vmem>>) target_semaphore(%arg9 : memref<!tpu.dma_semaphore, #tpu.memory_space<semaphore_mem>>)
    %dma_wait3A = tpu.memref_slice %arg3[%mul3A_2] : memref<2048xi32, #tpu.memory_space<hbm>> -> memref<64xi32, #tpu.memory_space<hbm>>
    %dma_wait3A_10 = tpu.memref_slice %arg3[%mul3A_2] : memref<2048xi32, #tpu.memory_space<hbm>> -> memref<64xi32, #tpu.memory_space<hbm>>
    tpu.wait_dma2 semaphore(%arg9 : memref<!tpu.dma_semaphore, #tpu.memory_space<semaphore_mem>>) src(%dma_wait3A_10 : memref<64xi32, #tpu.memory_space<hbm>>) dst(%arg6 : memref<64xi32, #tpu.memory_space<vmem>>)
    %dma_wait3A_11 = tpu.memref_slice %arg4[%mul3A_2] : memref<2048xi32, #tpu.memory_space<hbm>> -> memref<64xi32, #tpu.memory_space<hbm>>
    %dma_wait3A_12 = tpu.memref_slice %arg4[%mul3A_2] : memref<2048xi32, #tpu.memory_space<hbm>> -> memref<64xi32, #tpu.memory_space<hbm>>
    tpu.wait_dma2 semaphore(%arg9 : memref<!tpu.dma_semaphore, #tpu.memory_space<semaphore_mem>>) src(%dma_wait3A_12 : memref<64xi32, #tpu.memory_space<hbm>>) dst(%arg7 : memref<64xi32, #tpu.memory_space<vmem>>)
    %dma_wait3A_13 = arith.constant 0 : i32
    %dma_wait3A_14 = tpu.memref_slice %arg2[%mul3A_2, %dma_wait3A_13] : memref<2048x512xi32, #tpu.memory_space<hbm>> -> memref<64x512xi32, #tpu.memory_space<hbm>>
    %dma_wait3A_15 = arith.constant 0 : i32
    %dma_wait3A_16 = tpu.memref_slice %arg2[%mul3A_2, %dma_wait3A_15] : memref<2048x512xi32, #tpu.memory_space<hbm>> -> memref<64x512xi32, #tpu.memory_space<hbm>>
    tpu.wait_dma2 semaphore(%arg9 : memref<!tpu.dma_semaphore, #tpu.memory_space<semaphore_mem>>) src(%dma_wait3A_16 : memref<64x512xi32, #tpu.memory_space<hbm>>) dst(%arg8 : memref<64x512xi32, #tpu.memory_space<vmem>>)
    %dma_start3A_17 = arith.constant 0 : i32
    %dma_start3A_18 = arith.constant 0 : i32
    %dma_start3A_19 = tpu.memref_slice %arg5[%dma_start3A_17, %dma_start3A_18] : memref<6144x512xi32, #tpu.memory_space<hbm>> -> memref<6144x512xi32, #tpu.memory_space<hbm>>
    tpu.enqueue_indirect_dma source(%arg8 : memref<64x512xi32, #tpu.memory_space<vmem>>) target(%dma_start3A_19 : memref<6144x512xi32, #tpu.memory_space<hbm>>) offsets(%arg6 : memref<64xi32, #tpu.memory_space<vmem>>) semaphore(%arg9 : memref<!tpu.dma_semaphore, #tpu.memory_space<semaphore_mem>>)
    %dma_start3A_20 = arith.constant 0 : i32
    %dma_start3A_21 = arith.constant 0 : i32
    %dma_start3A_22 = tpu.memref_slice %arg5[%dma_start3A_20, %dma_start3A_21] : memref<6144x512xi32, #tpu.memory_space<hbm>> -> memref<6144x512xi32, #tpu.memory_space<hbm>>
    tpu.enqueue_indirect_dma source(%arg8 : memref<64x512xi32, #tpu.memory_space<vmem>>) target(%dma_start3A_22 : memref<6144x512xi32, #tpu.memory_space<hbm>>) offsets(%arg7 : memref<64xi32, #tpu.memory_space<vmem>>) semaphore(%arg9 : memref<!tpu.dma_semaphore, #tpu.memory_space<semaphore_mem>>)
    %dma_wait3A_23 = arith.constant 0 : i32
    %dma_wait3A_24 = arith.constant 0 : i32
    %dma_wait3A_25 = tpu.memref_slice %arg5[%dma_wait3A_23, %dma_wait3A_24] : memref<6144x512xi32, #tpu.memory_space<hbm>> -> memref<6144x512xi32, #tpu.memory_space<hbm>>
    tpu.wait_indirect_dma semaphore(%arg9 : memref<!tpu.dma_semaphore, #tpu.memory_space<semaphore_mem>>) src(%arg8 : memref<64x512xi32, #tpu.memory_space<vmem>>) dst(%dma_wait3A_25 : memref<6144x512xi32, #tpu.memory_space<hbm>>)
    %dma_wait3A_26 = arith.constant 0 : i32
    %dma_wait3A_27 = arith.constant 0 : i32
    %dma_wait3A_28 = tpu.memref_slice %arg5[%dma_wait3A_26, %dma_wait3A_27] : memref<6144x512xi32, #tpu.memory_space<hbm>> -> memref<6144x512xi32, #tpu.memory_space<hbm>>
    tpu.wait_indirect_dma semaphore(%arg9 : memref<!tpu.dma_semaphore, #tpu.memory_space<semaphore_mem>>) src(%arg8 : memref<64x512xi32, #tpu.memory_space<vmem>>) dst(%dma_wait3A_28 : memref<6144x512xi32, #tpu.memory_space<hbm>>)
    return
  }
}

module attributes {stable_mosaic.version = 14 : i64} {
  func.func @_router_body(%arg0: memref<2048x1024xf32, #tpu.memory_space<vmem>>, %arg1: memref<1024x8xf32, #tpu.memory_space<vmem>>, %arg2: memref<2048x1xf32, #tpu.memory_space<vmem>>, %arg3: memref<2048x1xf32, #tpu.memory_space<vmem>>, %arg4: memref<2048x1xi32, #tpu.memory_space<vmem>>, %arg5: memref<2048x1xi32, #tpu.memory_space<vmem>>, %arg6: memref<24x1xi32, #tpu.memory_space<vmem>>, %arg7: memref<1x1xi32, #tpu.memory_space<vmem>>, %arg8: memref<2048x1024xbf16, #tpu.memory_space<vmem>>) attributes {dimension_semantics = [], scalar_prefetch = 0 : i64, scratch_operands = 0 : i64, tpu.core_type = #tpu.core_type<tc>} {
    %get3A = arith.constant 0 : index
    %get3A_0 = arith.constant 0 : index
    %get3A_1 = vector.load %arg0[%get3A, %get3A_0] : memref<2048x1024xf32, #tpu.memory_space<vmem>>, vector<2048x1024xf32>
    %convert_element_type3A = arith.truncf %get3A_1 : vector<2048x1024xf32> to vector<2048x1024xbf16>
    %swap3A = arith.constant 0 : index
    %swap3A_2 = arith.constant 0 : index
    %swap3A_3 = vector.load %arg8[%swap3A, %swap3A_2] : memref<2048x1024xbf16, #tpu.memory_space<vmem>>, vector<2048x1024xbf16>
    tpu.vector_store %arg8[%swap3A, %swap3A_2], %convert_element_type3A {strides = array<i32>} : memref<2048x1024xbf16, #tpu.memory_space<vmem>>, vector<2048x1024xbf16>,
    %get3A_4 = arith.constant 0 : index
    %get3A_5 = arith.constant 0 : index
    %get3A_6 = vector.load %arg1[%get3A_4, %get3A_5] : memref<1024x8xf32, #tpu.memory_space<vmem>>, vector<1024x8xf32>
    %dot_general3A = arith.constant dense<0.000000e+00> : vector<2048x8xf32>
    %dot_general3A_7 = tpu.matmul %get3A_1, %get3A_6, %dot_general3A {dimension_numbers = #tpu.dot_dimension_numbers<[1], [0], [0], [1], [0, 0, 1, 1], [], []>, transpose_lhs_hint = false} : vector<2048x1024xf32>, vector<1024x8xf32>, vector<2048x8xf32> -> vector<2048x8xf32>
    %reduce_max3A = arith.constant dense<0xFF800000> : vector<2048xf32>
    %reduce_max3A_8 = vector.multi_reduction <maximumf>, %dot_general3A_7, %reduce_max3A [1] : vector<2048x8xf32> to vector<2048xf32>
    %broadcast_in_dim3A = vector.shape_cast %reduce_max3A_8 : vector<2048xf32> to vector<2048x1xf32>
    %sub3A = vector.broadcast %broadcast_in_dim3A : vector<2048x1xf32> to vector<2048x8xf32>
    %sub3A_9 = arith.subf %dot_general3A_7, %sub3A : vector<2048x8xf32>
    %exp3A = math.exp %sub3A_9 : vector<2048x8xf32>
    %reduce_sum3A = arith.constant dense<0.000000e+00> : vector<2048xf32>
    %reduce_sum3A_10 = vector.multi_reduction <add>, %exp3A, %reduce_sum3A [1] : vector<2048x8xf32> to vector<2048xf32>
    %broadcast_in_dim3A_11 = vector.shape_cast %reduce_sum3A_10 : vector<2048xf32> to vector<2048x1xf32>
    %div3A = vector.broadcast %broadcast_in_dim3A_11 : vector<2048x1xf32> to vector<2048x8xf32>
    %div3A_12 = arith.divf %exp3A, %div3A : vector<2048x8xf32>
    %iota3A = tpu.iota {dimensions = array<i32: 1>} : vector<2048x8xi32>
    %reduce_max3A_13 = arith.constant dense<0xFF800000> : vector<2048xf32>
    %reduce_max3A_14 = vector.multi_reduction <maximumf>, %div3A_12, %reduce_max3A_13 [1] : vector<2048x8xf32> to vector<2048xf32>
    %broadcast_in_dim3A_15 = vector.shape_cast %reduce_max3A_14 : vector<2048xf32> to vector<2048x1xf32>
    %eq3A = vector.broadcast %broadcast_in_dim3A_15 : vector<2048x1xf32> to vector<2048x8xf32>
    %eq3A_16 = arith.cmpf oeq, %div3A_12, %eq3A : vector<2048x8xf32>
    %jit3A = arith.constant 8 : i32
    %broadcast_in_dim3A_17 = vector.broadcast %jit3A : i32 to vector<2048x8xi32>
    %select_n3A = arith.select %eq3A_16, %iota3A, %broadcast_in_dim3A_17 : vector<2048x8xi1>, vector<2048x8xi32>
    %reduce_min3A = arith.constant dense<2147483647> : vector<2048xi32>
    %reduce_min3A_18 = vector.multi_reduction <minsi>, %select_n3A, %reduce_min3A [1] : vector<2048x8xi32> to vector<2048xi32>
    %broadcast_in_dim3A_19 = vector.shape_cast %reduce_min3A_18 : vector<2048xi32> to vector<2048x1xi32>
    %eq3A_20 = vector.broadcast %broadcast_in_dim3A_19 : vector<2048x1xi32> to vector<2048x8xi32>
    %eq3A_21 = arith.cmpi eq, %iota3A, %eq3A_20 : vector<2048x8xi32>
    %jit3A_22 = arith.constant -1.000000e+00 : f32
    %broadcast_in_dim3A_23 = vector.broadcast %jit3A_22 : f32 to vector<2048x8xf32>
    %select_n3A_24 = arith.select %eq3A_21, %broadcast_in_dim3A_23, %div3A_12 : vector<2048x8xi1>, vector<2048x8xf32>
    %reduce_max3A_25 = arith.constant dense<0xFF800000> : vector<2048xf32>
    %reduce_max3A_26 = vector.multi_reduction <maximumf>, %select_n3A_24, %reduce_max3A_25 [1] : vector<2048x8xf32> to vector<2048xf32>
    %broadcast_in_dim3A_27 = vector.shape_cast %reduce_max3A_26 : vector<2048xf32> to vector<2048x1xf32>
    %eq3A_28 = vector.broadcast %broadcast_in_dim3A_27 : vector<2048x1xf32> to vector<2048x8xf32>
    %eq3A_29 = arith.cmpf oeq, %select_n3A_24, %eq3A_28 : vector<2048x8xf32>
    %jit3A_30 = arith.constant 8 : i32
    %broadcast_in_dim3A_31 = vector.broadcast %jit3A_30 : i32 to vector<2048x8xi32>
    %select_n3A_32 = arith.select %eq3A_29, %iota3A, %broadcast_in_dim3A_31 : vector<2048x8xi1>, vector<2048x8xi32>
    %reduce_min3A_33 = arith.constant dense<2147483647> : vector<2048xi32>
    %reduce_min3A_34 = vector.multi_reduction <minsi>, %select_n3A_32, %reduce_min3A_33 [1] : vector<2048x8xi32> to vector<2048xi32>
    %broadcast_in_dim3A_35 = vector.shape_cast %reduce_min3A_34 : vector<2048xi32> to vector<2048x1xi32>
    %eq3A_36 = vector.broadcast %broadcast_in_dim3A_35 : vector<2048x1xi32> to vector<2048x8xi32>
    %eq3A_37 = arith.cmpi eq, %iota3A, %eq3A_36 : vector<2048x8xi32>
    %add3A = arith.addf %broadcast_in_dim3A_15, %broadcast_in_dim3A_27 : vector<2048x1xf32>
    %add3A_38 = arith.constant 9.99999997E-7 : f32
    %add3A_39 = vector.broadcast %add3A_38 : f32 to vector<2048x1xf32>
    %add3A_40 = arith.addf %add3A, %add3A_39 : vector<2048x1xf32>
    %div3A_41 = arith.divf %broadcast_in_dim3A_15, %add3A_40 : vector<2048x1xf32>
    %swap3A_42 = arith.constant 0 : index
    %swap3A_43 = arith.constant 0 : index
    %swap3A_44 = vector.load %arg2[%swap3A_42, %swap3A_43] : memref<2048x1xf32, #tpu.memory_space<vmem>>, vector<2048x1xf32>
    tpu.vector_store %arg2[%swap3A_42, %swap3A_43], %div3A_41 {strides = array<i32>} : memref<2048x1xf32, #tpu.memory_space<vmem>>, vector<2048x1xf32>,
    %div3A_45 = arith.divf %broadcast_in_dim3A_27, %add3A_40 : vector<2048x1xf32>
    %swap3A_46 = arith.constant 0 : index
    %swap3A_47 = arith.constant 0 : index
    %swap3A_48 = vector.load %arg3[%swap3A_46, %swap3A_47] : memref<2048x1xf32, #tpu.memory_space<vmem>>, vector<2048x1xf32>
    tpu.vector_store %arg3[%swap3A_46, %swap3A_47], %div3A_45 {strides = array<i32>} : memref<2048x1xf32, #tpu.memory_space<vmem>>, vector<2048x1xf32>,
    %convert_element_type3A_49 = arith.extui %eq3A_21 : vector<2048x8xi1> to vector<2048x8xi32>
    %convert_element_type3A_50 = arith.extui %eq3A_37 : vector<2048x8xi1> to vector<2048x8xi32>
    %add3A_51 = arith.addi %convert_element_type3A_49, %convert_element_type3A_50 : vector<2048x8xi32>
    %broadcast_in_dim3A_52 = arith.constant 0 : i32
    %broadcast_in_dim3A_53 = vector.broadcast %broadcast_in_dim3A_52 : i32 to vector<1x8xi32>
    %slice3A = vector.extract_strided_slice %add3A_51 {offsets = [0, 0], sizes = [2047, 8], strides = [1, 1]} : vector<2048x8xi32> to vector<2047x8xi32>
    %concatenate3A = tpu.concatenate %broadcast_in_dim3A_53, %slice3A in 0 : vector<1x8xi32>, vector<2047x8xi32> -> vector<2048x8xi32>
    %add3A_54 = arith.addi %add3A_51, %concatenate3A : vector<2048x8xi32>
    %broadcast_in_dim3A_55 = arith.constant 0 : i32
    %broadcast_in_dim3A_56 = vector.broadcast %broadcast_in_dim3A_55 : i32 to vector<2x8xi32>
    %slice3A_57 = vector.extract_strided_slice %add3A_54 {offsets = [0, 0], sizes = [2046, 8], strides = [1, 1]} : vector<2048x8xi32> to vector<2046x8xi32>
    %concatenate3A_58 = tpu.concatenate %broadcast_in_dim3A_56, %slice3A_57 in 0 : vector<2x8xi32>, vector<2046x8xi32> -> vector<2048x8xi32>
    %add3A_59 = arith.addi %add3A_54, %concatenate3A_58 : vector<2048x8xi32>
    %broadcast_in_dim3A_60 = arith.constant 0 : i32
    %broadcast_in_dim3A_61 = vector.broadcast %broadcast_in_dim3A_60 : i32 to vector<4x8xi32>
    %slice3A_62 = vector.extract_strided_slice %add3A_59 {offsets = [0, 0], sizes = [2044, 8], strides = [1, 1]} : vector<2048x8xi32> to vector<2044x8xi32>
    %concatenate3A_63 = tpu.concatenate %broadcast_in_dim3A_61, %slice3A_62 in 0 : vector<4x8xi32>, vector<2044x8xi32> -> vector<2048x8xi32>
    %add3A_64 = arith.addi %add3A_59, %concatenate3A_63 : vector<2048x8xi32>
    %broadcast_in_dim3A_65 = arith.constant 0 : i32
    %broadcast_in_dim3A_66 = vector.broadcast %broadcast_in_dim3A_65 : i32 to vector<8x8xi32>
    %slice3A_67 = vector.extract_strided_slice %add3A_64 {offsets = [0, 0], sizes = [2040, 8], strides = [1, 1]} : vector<2048x8xi32> to vector<2040x8xi32>
    %concatenate3A_68 = tpu.concatenate %broadcast_in_dim3A_66, %slice3A_67 in 0 : vector<8x8xi32>, vector<2040x8xi32> -> vector<2048x8xi32>
    %add3A_69 = arith.addi %add3A_64, %concatenate3A_68 : vector<2048x8xi32>
    %broadcast_in_dim3A_70 = arith.constant 0 : i32
    %broadcast_in_dim3A_71 = vector.broadcast %broadcast_in_dim3A_70 : i32 to vector<16x8xi32>
    %slice3A_72 = vector.extract_strided_slice %add3A_69 {offsets = [0, 0], sizes = [2032, 8], strides = [1, 1]} : vector<2048x8xi32> to vector<2032x8xi32>
    %concatenate3A_73 = tpu.concatenate %broadcast_in_dim3A_71, %slice3A_72 in 0 : vector<16x8xi32>, vector<2032x8xi32> -> vector<2048x8xi32>
    %add3A_74 = arith.addi %add3A_69, %concatenate3A_73 : vector<2048x8xi32>
    %broadcast_in_dim3A_75 = arith.constant 0 : i32
    %broadcast_in_dim3A_76 = vector.broadcast %broadcast_in_dim3A_75 : i32 to vector<32x8xi32>
    %slice3A_77 = vector.extract_strided_slice %add3A_74 {offsets = [0, 0], sizes = [2016, 8], strides = [1, 1]} : vector<2048x8xi32> to vector<2016x8xi32>
    %concatenate3A_78 = tpu.concatenate %broadcast_in_dim3A_76, %slice3A_77 in 0 : vector<32x8xi32>, vector<2016x8xi32> -> vector<2048x8xi32>
    %add3A_79 = arith.addi %add3A_74, %concatenate3A_78 : vector<2048x8xi32>
    %broadcast_in_dim3A_80 = arith.constant 0 : i32
    %broadcast_in_dim3A_81 = vector.broadcast %broadcast_in_dim3A_80 : i32 to vector<64x8xi32>
    %slice3A_82 = vector.extract_strided_slice %add3A_79 {offsets = [0, 0], sizes = [1984, 8], strides = [1, 1]} : vector<2048x8xi32> to vector<1984x8xi32>
    %concatenate3A_83 = tpu.concatenate %broadcast_in_dim3A_81, %slice3A_82 in 0 : vector<64x8xi32>, vector<1984x8xi32> -> vector<2048x8xi32>
    %add3A_84 = arith.addi %add3A_79, %concatenate3A_83 : vector<2048x8xi32>
    %broadcast_in_dim3A_85 = arith.constant 0 : i32
    %broadcast_in_dim3A_86 = vector.broadcast %broadcast_in_dim3A_85 : i32 to vector<128x8xi32>
    %slice3A_87 = vector.extract_strided_slice %add3A_84 {offsets = [0, 0], sizes = [1920, 8], strides = [1, 1]} : vector<2048x8xi32> to vector<1920x8xi32>
    %concatenate3A_88 = tpu.concatenate %broadcast_in_dim3A_86, %slice3A_87 in 0 : vector<128x8xi32>, vector<1920x8xi32> -> vector<2048x8xi32>
    %add3A_89 = arith.addi %add3A_84, %concatenate3A_88 : vector<2048x8xi32>
    %broadcast_in_dim3A_90 = arith.constant 0 : i32
    %broadcast_in_dim3A_91 = vector.broadcast %broadcast_in_dim3A_90 : i32 to vector<256x8xi32>
    %slice3A_92 = vector.extract_strided_slice %add3A_89 {offsets = [0, 0], sizes = [1792, 8], strides = [1, 1]} : vector<2048x8xi32> to vector<1792x8xi32>
    %concatenate3A_93 = tpu.concatenate %broadcast_in_dim3A_91, %slice3A_92 in 0 : vector<256x8xi32>, vector<1792x8xi32> -> vector<2048x8xi32>
    %add3A_94 = arith.addi %add3A_89, %concatenate3A_93 : vector<2048x8xi32>
    %broadcast_in_dim3A_95 = arith.constant 0 : i32
    %broadcast_in_dim3A_96 = vector.broadcast %broadcast_in_dim3A_95 : i32 to vector<512x8xi32>
    %slice3A_97 = vector.extract_strided_slice %add3A_94 {offsets = [0, 0], sizes = [1536, 8], strides = [1, 1]} : vector<2048x8xi32> to vector<1536x8xi32>
    %concatenate3A_98 = tpu.concatenate %broadcast_in_dim3A_96, %slice3A_97 in 0 : vector<512x8xi32>, vector<1536x8xi32> -> vector<2048x8xi32>
    %add3A_99 = arith.addi %add3A_94, %concatenate3A_98 : vector<2048x8xi32>
    %broadcast_in_dim3A_100 = arith.constant 0 : i32
    %broadcast_in_dim3A_101 = vector.broadcast %broadcast_in_dim3A_100 : i32 to vector<1024x8xi32>
    %slice3A_102 = vector.extract_strided_slice %add3A_99 {offsets = [0, 0], sizes = [1024, 8], strides = [1, 1]} : vector<2048x8xi32> to vector<1024x8xi32>
    %concatenate3A_103 = tpu.concatenate %broadcast_in_dim3A_101, %slice3A_102 in 0 : vector<1024x8xi32>, vector<1024x8xi32> -> vector<2048x8xi32>
    %add3A_104 = arith.addi %add3A_99, %concatenate3A_103 : vector<2048x8xi32>
    %sub3A_105 = arith.subi %add3A_104, %add3A_51 : vector<2048x8xi32>
    %slice3A_106 = vector.extract_strided_slice %add3A_104 {offsets = [2047, 0], sizes = [1, 8], strides = [1, 1]} : vector<2048x8xi32> to vector<1x8xi32>
    %add3A_107 = arith.constant 255 : i32
    %add3A_108 = vector.broadcast %add3A_107 : i32 to vector<1x8xi32>
    %add3A_109 = arith.addi %slice3A_106, %add3A_108 : vector<1x8xi32>
    %jit3A_110 = arith.constant 256 : i32
    %div3A_111 = vector.broadcast %jit3A_110 : i32 to vector<1x8xi32>
    %div3A_112 = arith.divsi %add3A_109, %div3A_111 : vector<1x8xi32>
    %sign3A = arith.constant 0 : i32
    %sign3A_113 = vector.broadcast %sign3A : i32 to vector<1x8xi32>
    %sign3A_114 = arith.cmpi sgt, %add3A_109, %sign3A_113 : vector<1x8xi32>
    %sign3A_115 = arith.extui %sign3A_114 : vector<1x8xi1> to vector<1x8xi32>
    %sign3A_116 = arith.constant 0 : i32
    %sign3A_117 = vector.broadcast %sign3A_116 : i32 to vector<1x8xi32>
    %sign3A_118 = arith.cmpi slt, %add3A_109, %sign3A_117 : vector<1x8xi32>
    %sign3A_119 = arith.extui %sign3A_118 : vector<1x8xi1> to vector<1x8xi32>
    %sign3A_120 = arith.subi %sign3A_115, %sign3A_119 : vector<1x8xi32>
    %sign3A_121 = arith.constant 0 : i32
    %sign3A_122 = arith.cmpi sgt, %jit3A_110, %sign3A_121 : i32
    %sign3A_123 = arith.extui %sign3A_122 : i1 to i32
    %sign3A_124 = arith.constant 0 : i32
    %sign3A_125 = arith.cmpi slt, %jit3A_110, %sign3A_124 : i32
    %sign3A_126 = arith.extui %sign3A_125 : i1 to i32
    %sign3A_127 = arith.subi %sign3A_123, %sign3A_126 : i32
    %ne3A = vector.broadcast %sign3A_127 : i32 to vector<1x8xi32>
    %ne3A_128 = arith.cmpi ne, %sign3A_120, %ne3A : vector<1x8xi32>
    %rem3A = vector.broadcast %jit3A_110 : i32 to vector<1x8xi32>
    %rem3A_129 = arith.remsi %add3A_109, %rem3A : vector<1x8xi32>
    %ne3A_130 = arith.constant 0 : i32
    %ne3A_131 = vector.broadcast %ne3A_130 : i32 to vector<1x8xi32>
    %ne3A_132 = arith.cmpi ne, %rem3A_129, %ne3A_131 : vector<1x8xi32>
    %and3A = arith.andi %ne3A_128, %ne3A_132 : vector<1x8xi1>
    %sub3A_133 = arith.constant 1 : i32
    %sub3A_134 = vector.broadcast %sub3A_133 : i32 to vector<1x8xi32>
    %sub3A_135 = arith.subi %div3A_112, %sub3A_134 : vector<1x8xi32>
    %select_n3A_136 = arith.select %and3A, %sub3A_135, %div3A_112 : vector<1x8xi1>, vector<1x8xi32>
    %broadcast_in_dim3A_137 = arith.constant 0 : i32
    %broadcast_in_dim3A_138 = vector.broadcast %broadcast_in_dim3A_137 : i32 to vector<1x1xi32>
    %slice3A_139 = vector.extract_strided_slice %select_n3A_136 {offsets = [0, 0], sizes = [1, 7], strides = [1, 1]} : vector<1x8xi32> to vector<1x7xi32>
    %concatenate3A_140 = tpu.concatenate %broadcast_in_dim3A_138, %slice3A_139 in 1 : vector<1x1xi32>, vector<1x7xi32> -> vector<1x8xi32>
    %add3A_141 = arith.addi %select_n3A_136, %concatenate3A_140 : vector<1x8xi32>
    %broadcast_in_dim3A_142 = arith.constant 0 : i32
    %broadcast_in_dim3A_143 = vector.broadcast %broadcast_in_dim3A_142 : i32 to vector<1x2xi32>
    %slice3A_144 = vector.extract_strided_slice %add3A_141 {offsets = [0, 0], sizes = [1, 6], strides = [1, 1]} : vector<1x8xi32> to vector<1x6xi32>
    %concatenate3A_145 = tpu.concatenate %broadcast_in_dim3A_143, %slice3A_144 in 1 : vector<1x2xi32>, vector<1x6xi32> -> vector<1x8xi32>
    %add3A_146 = arith.addi %add3A_141, %concatenate3A_145 : vector<1x8xi32>
    %broadcast_in_dim3A_147 = arith.constant 0 : i32
    %broadcast_in_dim3A_148 = vector.broadcast %broadcast_in_dim3A_147 : i32 to vector<1x4xi32>
    %slice3A_149 = vector.extract_strided_slice %add3A_146 {offsets = [0, 0], sizes = [1, 4], strides = [1, 1]} : vector<1x8xi32> to vector<1x4xi32>
    %concatenate3A_150 = tpu.concatenate %broadcast_in_dim3A_148, %slice3A_149 in 1 : vector<1x4xi32>, vector<1x4xi32> -> vector<1x8xi32>
    %add3A_151 = arith.addi %add3A_146, %concatenate3A_150 : vector<1x8xi32>
    %sub3A_152 = arith.subi %add3A_151, %select_n3A_136 : vector<1x8xi32>
    %mul3A = arith.constant 256 : i32
    %mul3A_153 = vector.broadcast %mul3A : i32 to vector<1x8xi32>
    %mul3A_154 = arith.muli %sub3A_152, %mul3A_153 : vector<1x8xi32>
    %broadcast_in_dim3A_155 = vector.shape_cast %mul3A_154 : vector<1x8xi32> to vector<1x8xi32>
    %broadcast_in_dim3A_156 = vector.broadcast %broadcast_in_dim3A_155 : vector<1x8xi32> to vector<2048x8xi32>
    %add3A_157 = arith.addi %sub3A_105, %broadcast_in_dim3A_156 : vector<2048x8xi32>
    %jit3A_158 = arith.constant 0 : i32
    %broadcast_in_dim3A_159 = vector.broadcast %jit3A_158 : i32 to vector<2048x8xi32>
    %select_n3A_160 = arith.select %eq3A_21, %add3A_157, %broadcast_in_dim3A_159 : vector<2048x8xi1>, vector<2048x8xi32>
    %reduce_sum3A_161 = arith.constant dense<0> : vector<2048xi32>
    %reduce_sum3A_162 = vector.multi_reduction <add>, %select_n3A_160, %reduce_sum3A_161 [1] : vector<2048x8xi32> to vector<2048xi32>
    %broadcast_in_dim3A_163 = vector.shape_cast %reduce_sum3A_162 : vector<2048xi32> to vector<2048x1xi32>
    %add3A_164 = arith.addi %sub3A_105, %broadcast_in_dim3A_156 : vector<2048x8xi32>
    %jit3A_165 = arith.constant 0 : i32
    %broadcast_in_dim3A_166 = vector.broadcast %jit3A_165 : i32 to vector<2048x8xi32>
    %select_n3A_167 = arith.select %eq3A_37, %add3A_164, %broadcast_in_dim3A_166 : vector<2048x8xi1>, vector<2048x8xi32>
    %reduce_sum3A_168 = arith.constant dense<0> : vector<2048xi32>
    %reduce_sum3A_169 = vector.multi_reduction <add>, %select_n3A_167, %reduce_sum3A_168 [1] : vector<2048x8xi32> to vector<2048xi32>
    %broadcast_in_dim3A_170 = vector.shape_cast %reduce_sum3A_169 : vector<2048xi32> to vector<2048x1xi32>
    %swap3A_171 = arith.constant 0 : index
    %swap3A_172 = arith.constant 0 : index
    %swap3A_173 = vector.load %arg4[%swap3A_171, %swap3A_172] : memref<2048x1xi32, #tpu.memory_space<vmem>>, vector<2048x1xi32>
    tpu.vector_store %arg4[%swap3A_171, %swap3A_172], %broadcast_in_dim3A_163 {strides = array<i32>} : memref<2048x1xi32, #tpu.memory_space<vmem>>, vector<2048x1xi32>,
    %swap3A_174 = arith.constant 0 : index
    %swap3A_175 = arith.constant 0 : index
    %swap3A_176 = vector.load %arg5[%swap3A_174, %swap3A_175] : memref<2048x1xi32, #tpu.memory_space<vmem>>, vector<2048x1xi32>
    tpu.vector_store %arg5[%swap3A_174, %swap3A_175], %broadcast_in_dim3A_170 {strides = array<i32>} : memref<2048x1xi32, #tpu.memory_space<vmem>>, vector<2048x1xi32>,
    %iota3A_177 = tpu.iota {dimensions = array<i32: 0>} : vector<24x8xi32>
    %broadcast_in_dim3A_178 = vector.shape_cast %sub3A_152 : vector<1x8xi32> to vector<1x8xi32>
    %broadcast_in_dim3A_179 = vector.broadcast %broadcast_in_dim3A_178 : vector<1x8xi32> to vector<24x8xi32>
    %le3A = arith.cmpi sle, %broadcast_in_dim3A_179, %iota3A_177 : vector<24x8xi32>
    %convert_element_type3A_180 = arith.extui %le3A : vector<24x8xi1> to vector<24x8xi32>
    %reduce_sum3A_181 = arith.constant dense<0> : vector<24xi32>
    %reduce_sum3A_182 = vector.multi_reduction <add>, %convert_element_type3A_180, %reduce_sum3A_181 [1] : vector<24x8xi32> to vector<24xi32>
    %broadcast_in_dim3A_183 = vector.shape_cast %reduce_sum3A_182 : vector<24xi32> to vector<24x1xi32>
    %sub3A_184 = arith.constant 1 : i32
    %sub3A_185 = vector.broadcast %sub3A_184 : i32 to vector<24x1xi32>
    %sub3A_186 = arith.subi %broadcast_in_dim3A_183, %sub3A_185 : vector<24x1xi32>
    %swap3A_187 = arith.constant 0 : index
    %swap3A_188 = arith.constant 0 : index
    %swap3A_189 = vector.load %arg6[%swap3A_187, %swap3A_188] : memref<24x1xi32, #tpu.memory_space<vmem>>, vector<24x1xi32>
    tpu.vector_store %arg6[%swap3A_187, %swap3A_188], %sub3A_186 {strides = array<i32>} : memref<24x1xi32, #tpu.memory_space<vmem>>, vector<24x1xi32>,
    %slice3A_190 = vector.extract_strided_slice %sub3A_152 {offsets = [0, 7], sizes = [1, 1], strides = [1, 1]} : vector<1x8xi32> to vector<1x1xi32>
    %slice3A_191 = vector.extract_strided_slice %select_n3A_136 {offsets = [0, 7], sizes = [1, 1], strides = [1, 1]} : vector<1x8xi32> to vector<1x1xi32>
    %add3A_192 = arith.addi %slice3A_190, %slice3A_191 : vector<1x1xi32>
    %swap3A_193 = arith.constant 0 : index
    %swap3A_194 = arith.constant 0 : index
    %swap3A_195 = vector.load %arg7[%swap3A_193, %swap3A_194] : memref<1x1xi32, #tpu.memory_space<vmem>>, vector<1x1xi32>
    tpu.vector_store %arg7[%swap3A_193, %swap3A_194], %add3A_192 {strides = array<i32>} : memref<1x1xi32, #tpu.memory_space<vmem>>, vector<1x1xi32>,
    return
  }
}

module attributes {stable_mosaic.version = 14 : i64} {
  func.func @_experts_body(%arg0: i32, %arg1: memref<24xi32, #tpu.memory_space<smem>>, %arg2: memref<1xi32, #tpu.memory_space<smem>>, %arg3: memref<256x1024xbf16, #tpu.memory_space<vmem>>, %arg4: memref<1x1024x1024xf32, #tpu.memory_space<vmem>>, %arg5: memref<1x1x1024xf32, #tpu.memory_space<vmem>>, %arg6: memref<1x1024x1024xf32, #tpu.memory_space<vmem>>, %arg7: memref<1x1x1024xf32, #tpu.memory_space<vmem>>, %arg8: memref<1x1x1024xf32, #tpu.memory_space<vmem>>, %arg9: memref<1x1x1xf32, #tpu.memory_space<vmem>>, %arg10: memref<256x1xf32, #tpu.memory_space<vmem>>) attributes {dimension_semantics = [#tpu.dimension_semantics<arbitrary>], iteration_bounds = array<i64: 24>, scalar_prefetch = 2 : i64, scratch_operands = 0 : i64, tpu.core_type = #tpu.core_type<tc>, window_params = [{transform_indices = @transform_0, window_bounds = array<i64: 256, 1024>}, {transform_indices = @transform_1, window_bounds = array<i64: 1, 1024, 1024>}, {transform_indices = @transform_2, window_bounds = array<i64: 1, 1, 1024>}, {transform_indices = @transform_3, window_bounds = array<i64: 1, 1024, 1024>}, {transform_indices = @transform_4, window_bounds = array<i64: 1, 1, 1024>}, {transform_indices = @transform_5, window_bounds = array<i64: 1, 1, 1024>}, {transform_indices = @transform_6, window_bounds = array<i64: 1, 1, 1>}, {transform_indices = @transform_7, window_bounds = array<i64: 256, 1>}]} {
    %get3A = arith.constant 0 : index
    %get3A_0 = memref.load %arg2[%get3A] : memref<1xi32, #tpu.memory_space<smem>>
    %lt3A = arith.cmpi slt, %arg0, %get3A_0 : i32
    %convert_element_type3A = arith.extui %lt3A : i1 to i32
    %cond3A = arith.constant 0 : i32
    %cond3A_1 = arith.cmpi ne, %convert_element_type3A, %cond3A : i32
    scf.if %cond3A_1 {
      %get3A_2 = arith.index_cast %arg0 : i32 to index
      %get3A_3 = memref.load %arg1[%get3A_2] : memref<24xi32, #tpu.memory_space<smem>>
      %shift_left3A = arith.constant 1 : i32
      %shift_left3A_4 = arith.shli %shift_left3A, %get3A_3 : i32
      %convert_element_type3A_5 = arith.sitofp %shift_left3A_4 : i32 to f32
      %get3A_6 = arith.constant 0 : index
      %get3A_7 = arith.constant 0 : index
      %get3A_8 = vector.load %arg3[%get3A_6, %get3A_7] : memref<256x1024xbf16, #tpu.memory_space<vmem>>, vector<256x1024xbf16>
      %convert_element_type3A_9 = arith.extf %get3A_8 : vector<256x1024xbf16> to vector<256x1024xf32>
      %mul3A = vector.broadcast %convert_element_type3A_5 : f32 to vector<256x1024xf32>
      %mul3A_10 = arith.mulf %convert_element_type3A_9, %mul3A : vector<256x1024xf32>
      %get3A_11 = arith.constant 0 : index
      %get3A_12 = arith.constant 0 : index
      %get3A_13 = arith.constant 0 : index
      %get3A_14 = vector.load %arg4[%get3A_11, %get3A_12, %get3A_13] : memref<1x1024x1024xf32, #tpu.memory_space<vmem>>, vector<1x1024x1024xf32>
      %get3A_15 = vector.shape_cast %get3A_14 : vector<1x1024x1024xf32> to vector<1024x1024xf32>
      %dot_general3A = arith.constant dense<0.000000e+00> : vector<256x1024xf32>
      %dot_general3A_16 = tpu.matmul %mul3A_10, %get3A_15, %dot_general3A {dimension_numbers = #tpu.dot_dimension_numbers<[1], [0], [0], [1], [0, 0, 1, 1], [], []>, transpose_lhs_hint = false} : vector<256x1024xf32>, vector<1024x1024xf32>, vector<256x1024xf32> -> vector<256x1024xf32>
      %get3A_17 = arith.constant 0 : index
      %get3A_18 = arith.constant 0 : index
      %get3A_19 = arith.constant 0 : index
      %get3A_20 = vector.load %arg5[%get3A_17, %get3A_18, %get3A_19] : memref<1x1x1024xf32, #tpu.memory_space<vmem>>, vector<1x1x1024xf32>
      %get3A_21 = vector.shape_cast %get3A_20 : vector<1x1x1024xf32> to vector<1x1024xf32>
      %add3A = vector.broadcast %get3A_21 : vector<1x1024xf32> to vector<256x1024xf32>
      %add3A_22 = arith.addf %dot_general3A_16, %add3A : vector<256x1024xf32>
      %tanh3A = math.tanh %add3A_22 : vector<256x1024xf32>
      %get3A_23 = arith.constant 0 : index
      %get3A_24 = arith.constant 0 : index
      %get3A_25 = arith.constant 0 : index
      %get3A_26 = vector.load %arg6[%get3A_23, %get3A_24, %get3A_25] : memref<1x1024x1024xf32, #tpu.memory_space<vmem>>, vector<1x1024x1024xf32>
      %get3A_27 = vector.shape_cast %get3A_26 : vector<1x1024x1024xf32> to vector<1024x1024xf32>
      %dot_general3A_28 = arith.constant dense<0.000000e+00> : vector<256x1024xf32>
      %dot_general3A_29 = tpu.matmul %tanh3A, %get3A_27, %dot_general3A_28 {dimension_numbers = #tpu.dot_dimension_numbers<[1], [0], [0], [1], [0, 0, 1, 1], [], []>, transpose_lhs_hint = false} : vector<256x1024xf32>, vector<1024x1024xf32>, vector<256x1024xf32> -> vector<256x1024xf32>
      %get3A_30 = arith.constant 0 : index
      %get3A_31 = arith.constant 0 : index
      %get3A_32 = arith.constant 0 : index
      %get3A_33 = vector.load %arg7[%get3A_30, %get3A_31, %get3A_32] : memref<1x1x1024xf32, #tpu.memory_space<vmem>>, vector<1x1x1024xf32>
      %get3A_34 = vector.shape_cast %get3A_33 : vector<1x1x1024xf32> to vector<1x1024xf32>
      %add3A_35 = vector.broadcast %get3A_34 : vector<1x1024xf32> to vector<256x1024xf32>
      %add3A_36 = arith.addf %dot_general3A_29, %add3A_35 : vector<256x1024xf32>
      %tanh3A_37 = math.tanh %add3A_36 : vector<256x1024xf32>
      %get3A_38 = arith.constant 0 : index
      %get3A_39 = arith.constant 0 : index
      %get3A_40 = arith.constant 0 : index
      %get3A_41 = vector.load %arg8[%get3A_38, %get3A_39, %get3A_40] : memref<1x1x1024xf32, #tpu.memory_space<vmem>>, vector<1x1x1024xf32>
      %get3A_42 = vector.shape_cast %get3A_41 : vector<1x1x1024xf32> to vector<1x1024xf32>
      %mul3A_43 = vector.broadcast %get3A_42 : vector<1x1024xf32> to vector<256x1024xf32>
      %mul3A_44 = arith.mulf %tanh3A_37, %mul3A_43 : vector<256x1024xf32>
      %reduce_sum3A = arith.constant dense<0.000000e+00> : vector<256xf32>
      %reduce_sum3A_45 = vector.multi_reduction <add>, %mul3A_44, %reduce_sum3A [1] : vector<256x1024xf32> to vector<256xf32>
      %broadcast_in_dim3A = vector.shape_cast %reduce_sum3A_45 : vector<256xf32> to vector<256x1xf32>
      %get3A_46 = arith.constant 0 : index
      %get3A_47 = arith.constant 0 : index
      %get3A_48 = arith.constant 0 : index
      %get3A_49 = vector.load %arg9[%get3A_46, %get3A_47, %get3A_48] : memref<1x1x1xf32, #tpu.memory_space<vmem>>, vector<1x1x1xf32>
      %get3A_50 = vector.extract %get3A_49[0, 0, 0] : f32 from vector<1x1x1xf32>
      %add3A_51 = vector.broadcast %get3A_50 : f32 to vector<256x1xf32>
      %add3A_52 = arith.addf %broadcast_in_dim3A, %add3A_51 : vector<256x1xf32>
      %swap3A = arith.constant 0 : index
      %swap3A_53 = arith.constant 0 : index
      %swap3A_54 = vector.load %arg10[%swap3A, %swap3A_53] : memref<256x1xf32, #tpu.memory_space<vmem>>, vector<256x1xf32>
      tpu.vector_store %arg10[%swap3A, %swap3A_53], %add3A_52 {strides = array<i32>} : memref<256x1xf32, #tpu.memory_space<vmem>>, vector<256x1xf32>,
    } else {
    }
    return
  }
  func.func @transform_0(%arg0: i32, %arg1: memref<24xi32, #tpu.memory_space<smem>>, %arg2: memref<1xi32, #tpu.memory_space<smem>>) -> (i32, i32) {
    %c0_i32 = arith.constant 0 : i32
    %c0_i32_0 = arith.constant 0 : i32
    return %arg0, %c0_i32 : i32, i32
  }
  func.func @transform_1(%arg0: i32, %arg1: memref<24xi32, #tpu.memory_space<smem>>, %arg2: memref<1xi32, #tpu.memory_space<smem>>) -> (i32, i32, i32) {
    %get3A = arith.index_cast %arg0 : i32 to index
    %get3A_0 = memref.load %arg1[%get3A] : memref<24xi32, #tpu.memory_space<smem>>
    %c0_i32 = arith.constant 0 : i32
    %c0_i32_1 = arith.constant 0 : i32
    %c0_i32_2 = arith.constant 0 : i32
    return %get3A_0, %c0_i32, %c0_i32_1 : i32, i32, i32
  }
  func.func @transform_2(%arg0: i32, %arg1: memref<24xi32, #tpu.memory_space<smem>>, %arg2: memref<1xi32, #tpu.memory_space<smem>>) -> (i32, i32, i32) {
    %get3A = arith.index_cast %arg0 : i32 to index
    %get3A_0 = memref.load %arg1[%get3A] : memref<24xi32, #tpu.memory_space<smem>>
    %c0_i32 = arith.constant 0 : i32
    %c0_i32_1 = arith.constant 0 : i32
    %c0_i32_2 = arith.constant 0 : i32
    return %get3A_0, %c0_i32, %c0_i32_1 : i32, i32, i32
  }
  func.func @transform_3(%arg0: i32, %arg1: memref<24xi32, #tpu.memory_space<smem>>, %arg2: memref<1xi32, #tpu.memory_space<smem>>) -> (i32, i32, i32) {
    %get3A = arith.index_cast %arg0 : i32 to index
    %get3A_0 = memref.load %arg1[%get3A] : memref<24xi32, #tpu.memory_space<smem>>
    %c0_i32 = arith.constant 0 : i32
    %c0_i32_1 = arith.constant 0 : i32
    %c0_i32_2 = arith.constant 0 : i32
    return %get3A_0, %c0_i32, %c0_i32_1 : i32, i32, i32
  }
  func.func @transform_4(%arg0: i32, %arg1: memref<24xi32, #tpu.memory_space<smem>>, %arg2: memref<1xi32, #tpu.memory_space<smem>>) -> (i32, i32, i32) {
    %get3A = arith.index_cast %arg0 : i32 to index
    %get3A_0 = memref.load %arg1[%get3A] : memref<24xi32, #tpu.memory_space<smem>>
    %c0_i32 = arith.constant 0 : i32
    %c0_i32_1 = arith.constant 0 : i32
    %c0_i32_2 = arith.constant 0 : i32
    return %get3A_0, %c0_i32, %c0_i32_1 : i32, i32, i32
  }
  func.func @transform_5(%arg0: i32, %arg1: memref<24xi32, #tpu.memory_space<smem>>, %arg2: memref<1xi32, #tpu.memory_space<smem>>) -> (i32, i32, i32) {
    %get3A = arith.index_cast %arg0 : i32 to index
    %get3A_0 = memref.load %arg1[%get3A] : memref<24xi32, #tpu.memory_space<smem>>
    %c0_i32 = arith.constant 0 : i32
    %c0_i32_1 = arith.constant 0 : i32
    %c0_i32_2 = arith.constant 0 : i32
    return %get3A_0, %c0_i32, %c0_i32_1 : i32, i32, i32
  }
  func.func @transform_6(%arg0: i32, %arg1: memref<24xi32, #tpu.memory_space<smem>>, %arg2: memref<1xi32, #tpu.memory_space<smem>>) -> (i32, i32, i32) {
    %get3A = arith.index_cast %arg0 : i32 to index
    %get3A_0 = memref.load %arg1[%get3A] : memref<24xi32, #tpu.memory_space<smem>>
    %c0_i32 = arith.constant 0 : i32
    %c0_i32_1 = arith.constant 0 : i32
    %c0_i32_2 = arith.constant 0 : i32
    return %get3A_0, %c0_i32, %c0_i32_1 : i32, i32, i32
  }
  func.func @transform_7(%arg0: i32, %arg1: memref<24xi32, #tpu.memory_space<smem>>, %arg2: memref<1xi32, #tpu.memory_space<smem>>) -> (i32, i32) {
    %c0_i32 = arith.constant 0 : i32
    %c0_i32_0 = arith.constant 0 : i32
    return %arg0, %c0_i32 : i32, i32
  }
}

</mosaic_0001>

<sc_bundles>
// kernel: kernel.6.cloned.1.call-start
scs
__scs_entry_jumppad:
0x0: {  	(pc) =	sbr.rel $0x88, $3  }
0x1: {  	(tag) =	ssettag $0x0;
	lr =	simm.s32 $0x1  }
0x2: {  	[smem:$0x3F99] =	sst lr;
	_ =	strace $0xD0000000  }
0x3: {  	_ = 	snop  }
0x4: {  	_ = 	snop  }
0x5: {  	_ = 	snop  }
0x6: {  	_ = 	snop  }
0x7: {  	_ = 	snop  }
__scs_overlays_trampoline_lowered:
0x8: {  	[smem:$0x3FA8] =	sst s0  }
0x9: {  	[smem:$0x3FA9] =	sst s1  }
0xa: {  	[smem:$0x3FAA] =	sst s2  }
0xb: {  	[smem:$0x3FAB] =	sst s3  }
0xc: {  	[smem:$0x3FAC] =	sst s4  }
0xd: {  	[smem:$0x3FAD] =	sst s5  }
0xe: {  	[smem:$0x3FAE] =	sst s6  }
0xf: {  	[smem:$0x3FAF] =	sst s7  }
0x10: {  	[smem:$0x3FB0] =	sst s8  }
0x11: {  	[smem:$0x3FB1] =	sst s9;
	s0 =	simm.s32 @!p0 $0x0  }
0x12: {  	s1 =	sld [smem:$0x3F97];
	s0 =	simm.s32 @p0 $0x1  }
0x13: {  	[smem:$0x3FB2] =	sst s0;
	s0 =	simm.s32 @!p1 $0x0  }
0x14: {  	s2 =	sld [smem:$0x3F96];
	s0 =	simm.s32 @p1 $0x1  }
0x15: {  	[smem:$0x3FB3] =	sst s0;
	s0 =	simm.s32 @!p2 $0x0  }
0x16: {  	s3 =	sld [smem:$0x3FDB];
	s0 =	simm.s32 @p2 $0x1  }
0x17: {  	s4 =	simm.s32 $0x1BF5;
	[smem:$0x3FB5] =	sst s0  }
0x18: {  	s0 =	sld [smem:$0x3F98];
	_ =	swait.ge [sflag:s4], $0x0  }
0x19: {  	s7 =	sld [smem:$0x3F99]  }
0x1a: {  	s8 =	sadd.s32 $0xFFFFE003, lr  }
0x1b: {  	s9 =	sadd.s32 $0xFFFFFEF7, lr;
	s5 =	simm.s32 $0xFFFFFFFF;
	p2 =	slt.u32 s8, $0xFFFFF086  }
0x1c: {  	p1 =	slt.u32 s9, $0xF7A;
	s5 =	simm.s32 @!p2 $0x0  }
0x1d: {  	s5 =	simm.s32 @p1 $0x1;
	p0 =	seq.s32 s7, s2  }
0x1e: {  	s7 =	smul.u32 @!p0 $0xF7A, s2;
	p2 =	seq.s32 @!p0 s5, $0x0  }
0x1f: {  	s9 =	smul.u32 $0xF7A, s1;
	s8 =	simm.s32 @!p0 $0x1BF5;
	p2 =	por !p2, p0  }
0x20: {  	[sflag:s8] =	ssyncset.s32 @!p0 $0xFFFFF086;
	s6 =	sadd.s32 @!p0 s3, s7;
	s7 =	simm.s32 @!p0 $0x108  }
0x21: {  	s3 =	sadd.s32 s3, s9;
	s6 =	sadd.s32 @!p0 $0x88, s6;
	s7 =	simm.s32 @p2 $0x1082  }
0x22: {  	[simem:s7], [sflag:s8] =	dma.local @!p0 [hbm:s6], $0xF7A  }
0x23: {  	s9 =	sor.u32 $0xD0000000, s2;
	s6 =	simm.s32 $0x108;
	_ =	swait.ge @!p0 [sflag:s8], $0x0  }
0x24: {  	s3 =	sadd.s32 $0x88, s3;
	s6 =	simm.s32 @!p1 $0x1082;
	[sflag:s4] =	ssyncset.s32 $0xFFFFF086  }
0x25: {  	[simem:s6], [sflag:s4] =	dma.local [hbm:s3], $0xF7A  }
0x26: {  	[smem:$0x3F99] =	sst s1;
	(tag) =	ssettag s2;
	_ =	strace s9  }
0x27: {  	s1 =	sld [smem:$0x3FA9]  }
0x28: {  	s2 =	sld [smem:$0x3FAA]  }
0x29: {  	s4 =	sld [smem:$0x3FAC]  }
0x2a: {  	p0 =	seq.s32 s5, $0x0;
	s5 =	sld [smem:$0x3FAD]  }
0x2b: {  	s6 =	sld [smem:$0x3FAE]  }
0x2c: {  	s7 =	sld [smem:$0x3FAF]  }
0x2d: {  	s3 =	simm.s32 $0x108;
	s8 =	sld [smem:$0x3FB0]  }
0x2e: {  	s3 =	simm.s32 @!p0 $0x1082;
	s9 =	sld [smem:$0x3FB1]  }
0x2f: {  	lr =	sadd.s32 s0, s3;
	s0 =	sld [smem:$0x3FA8]  }
0x30: {  	s3 =	sld [smem:$0x3FAB]  }
0x31: {  	[smem:$0x3FB4] =	sst s10  }
0x32: {  	s10 =	sld [smem:$0x3FB2];
	_ =	sdelay $0x3  }
0x33: {  	p0 =	seq.s32 s10, $0x1;
	s10 =	sld [smem:$0x3FB4];
	_ =	sdelay $0x3  }
0x34: {  	[smem:$0x3FB4] =	sst s10  }
0x35: {  	s10 =	sld [smem:$0x3FB3];
	_ =	sdelay $0x3  }
0x36: {  	p1 =	seq.s32 s10, $0x1;
	s10 =	sld [smem:$0x3FB4];
	_ =	sdelay $0x3  }
0x37: {  	[smem:$0x3FB4] =	sst s10  }
0x38: {  	s10 =	sld [smem:$0x3FB5]  }
0x39: {  	_ = 	snop;
	(pc) =	sbr.ind lr, $3  }
0x3a: {  	_ = 	snop  }
0x3b: {  	_ = 	snop  }
0x3c: {  	p2 =	seq.s32 s10, $0x1;
	s10 =	sld [smem:$0x3FB4]  }
0x3d: {  	_ =	shalt  }
0x3e: {  	_ =	shalt  }
0x3f: {  	_ =	shalt  }
0x40: {  	_ =	shalt  }
0x41: {  	_ =	shalt  }
0x42: {  	_ =	shalt  }
0x43: {  	_ =	shalt  }
0x44: {  	_ =	shalt  }
0x45: {  	_ =	shalt  }
0x46: {  	_ =	shalt  }
0x47: {  	_ =	shalt  }
0x48: {  	_ =	shalt  }
0x49: {  	_ =	shalt  }
0x4a: {  	_ =	shalt  }
0x4b: {  	_ =	shalt  }
0x4c: {  	_ =	shalt  }
0x4d: {  	_ =	shalt  }
0x4e: {  	_ =	shalt  }
0x4f: {  	_ =	shalt  }
0x50: {  	_ =	shalt  }
0x51: {  	_ =	shalt  }
0x52: {  	_ =	shalt  }
0x53: {  	_ =	shalt  }
0x54: {  	_ =	shalt  }
0x55: {  	_ =	shalt  }
0x56: {  	_ =	shalt  }
0x57: {  	_ =	shalt  }
0x58: {  	_ =	shalt  }
0x59: {  	_ =	shalt  }
0x5a: {  	_ =	shalt  }
0x5b: {  	_ =	shalt  }
0x5c: {  	_ =	shalt  }
0x5d: {  	_ =	shalt  }
0x5e: {  	_ =	shalt  }
0x5f: {  	_ =	shalt  }
0x60: {  	_ =	shalt  }
0x61: {  	_ =	shalt  }
0x62: {  	_ =	shalt  }
0x63: {  	_ =	shalt  }
0x64: {  	_ =	shalt  }
0x65: {  	_ =	shalt  }
0x66: {  	_ =	shalt  }
0x67: {  	_ =	shalt  }
0x68: {  	_ =	shalt  }
0x69: {  	_ =	shalt  }
0x6a: {  	_ =	shalt  }
0x6b: {  	_ =	shalt  }
0x6c: {  	_ =	shalt  }
0x6d: {  	_ =	shalt  }
0x6e: {  	_ =	shalt  }
0x6f: {  	_ =	shalt  }
0x70: {  	_ =	shalt  }
0x71: {  	_ =	shalt  }
0x72: {  	_ =	shalt  }
0x73: {  	_ =	shalt  }
0x74: {  	_ =	shalt  }
0x75: {  	_ =	shalt  }
0x76: {  	_ =	shalt  }
0x77: {  	_ =	shalt  }
0x78: {  	_ =	shalt  }
0x79: {  	_ =	shalt  }
0x7a: {  	_ =	shalt  }
0x7b: {  	_ =	shalt  }
0x7c: {  	_ =	shalt  }
0x7d: {  	_ =	shalt  }
0x7e: {  	_ =	shalt  }
0x7f: {  	_ =	shalt  }
0x80: {  	_ =	shalt  }
0x81: {  	_ =	shalt  }
0x82: {  	_ =	shalt  }
0x83: {  	_ =	shalt  }
0x84: {  	_ =	shalt  }
0x85: {  	_ =	shalt  }
0x86: {  	_ =	shalt  }
0x87: {  	_ =	shalt  }
.Lfunc_end0:
.L_simem_size_0:
called_computation_lowered:
.L_overlay_start_0:
0x88: {  	s2 =	sld [smem:$0x3FD9]  }
0x89: {  	s3 =	sld [smem:$0x3FFE];
	_ =	sdelay $0x1  }
0x8a: {  	s1 =	srdreg.scid  }
0x8b: {  	s0 =	sand.u32 $0x1, s1  }
0x8c: {  	s16 =	sshll.u32 s0, $0xA;
	s2 =	sadd.s32 s3, s2  }
0x8d: {  	s2 =	sadd.s32 s2, s16  }
0x8e: {  	[smem:$0x3FC0] =	sst s2  }
0x8f: {  	_ = 	snop  }
0x90: {  	(tm) =	ssettm $0x1  }
0x91: {  	s17 =	sld [smem:$0x3FFB];
	_ =	sdelay $0x3  }
0x92: {  	_ =	strace s17  }
0x93: {  	s2 =	sld [smem:$0x3FFC];
	_ =	sdelay $0x3  }
0x94: {  	_ =	strace s2  }
0x95: {  	s2 =	sld [smem:$0x3FFD];
	_ =	sdelay $0x3  }
0x96: {  	_ =	strace s2  }
0x97: {  	_ =	strace $0x8FFFFFFF  }
0x98: {  	s18 =	sld [smem:$0x3FDB];
	_ =	sdelay $0x1  }
0x99: {  	s19 =	simm.s32 $_scs_section_size  }
0x9a: {  	s4 =	simm.s32 $_size__tile_overlayer_lowered;
	s5 =	simm.s32 $_tile_overlayer_lowered  }
0x9b: {  	s22 =	simm.s32 $0x1BFF;
	s21 =	sshll.u32 s5, $0x1;
	s2 =	sadd.s32 s19, s18  }
0x9c: {  	s6 =	simm.s32 $0x0;
	s20 =	sshll.u32 s4, $0x1;
	s4 =	sadd.s32 s21, s2  }
0x9d: {  	[timem:s6], [sflag:s22] =	dma.local [hbm:s4], s20  }
0x9e: {  	_ =	swait.ge [sflag:s22], s20  }
0x9f: {  	s3 =	ssub.s32 $0x0, s20;
	[sflag:s22] =	ssyncset.done $0x0  }
0xa0: {  	[sflag:s22] =	ssyncadd.s32 s3;
	_ =	sdelay $0x1  }
0xa1: {  	s23 =	simm.s32 $0x1B8B  }
0xa2: {  	_ =	swait.ge [sflag:s23], $0x1  }
0xa3: {  	[sflag:s23] =	ssyncset.done $0x0  }
0xa4: {  	s25 =	simm.s32 $0x1B8E;
	s24 =	sld [smem:$0x3FFE];
	[sflag:s23] =	ssyncadd.s32 $0xFFFFFFFF  }
0xa5: {  	s26 =	simm.s32 $execute0_lowered;
	[smem:$0x3FD2] =	sst s25  }
0xa6: {  	s4 =	sshll.u32 s26, $0x1;
	_ =	strace $0x80000046;
	[dreg:$0x1] =	wrdreg $0xFFFFFFFF  }
0xa7: {  	s28 =	simm.s32 $_size_execute0_lowered;
	s2 =	sadd.s32 s2, s4;
	[dreg:$0x0] =	wrdreg $0x0  }
0xa8: {  	s4 =	sshll.u32 s28, $0x1;
	[dreg:$0x2] =	wrdreg s2  }
0xa9: {  	[dreg:$0x3] =	wrdreg s4  }
0xaa: {  	[dreg:$0x4] =	wrdreg $0xC0  }
0xab: {  	_ =	task [dreg:s6], $0x5FFFF  }
0xac: {  	[dreg:$0x1] =	wrdreg $0xFFFFFFFF  }
0xad: {  	[dreg:$0x0] =	wrdreg $0x60  }
0xae: {  	[dreg:$0x2] =	wrdreg s24  }
0xaf: {  	[dreg:$0x3] =	wrdreg $0x9  }
0xb0: {  	_ =	task.clear_ibuf [dreg:s6], $0x4FFFF;
	_ =	strace $0x90000046  }
0xb1: {  	s29 =	simm.s32 $0x9;
	_ =	strace $0x80000048  }
0xb2: {  	_ =	swait.ge [sflag:s29], $0x1  }
0xb3: {  	[sflag:s29] =	ssyncadd.s32 $0xFFFFFFFF  }
0xb4: {  	_ =	strace $0x90000048  }
0xb5: {  	_ =	sfence  }
0xb6: {  	s30 =	sld [smem:$0x0];
	_ =	sdelay $0x2  }
0xb7: {  	s31 =	sshll.u32 s1, $0xD;
	s1 =	sshrl.u32 s1, $0x2  }
0xb8: {  	s3 =	sand.u32 $0x4000, s31;
	s1 =	sadd.s32 s1, s30  }
0xb9: {  	s0 =	sor.u32 s3, s0;
	s1 =	sshll.u32 s1, $0x11  }
0xba: {  	s0 =	sor.u32 s1, s0  }
0xbb: {  	s0 =	sadd.s32 $0x8F2B, s0  }
0xbc: {  	[sflag:s0] =	ssyncadd.remote.s32 $0x1  }
0xbd: {  	_ =	sfence.sel $0xFFFF  }
0xbe: {  	[dreg:$0x0] =	wrdreg $0xFFFFFFFF;
	(pc) =	sbr.abs _section_cstart, $3  }
0xbf: {  	[dreg:$0x1] =	wrdreg $0xFFFFFFFF  }
0xc0: {  	_ =	task.clear_ibuf [dreg:s6], $0x2FFFF;
	_ =	strace $0x9FFFFFFF  }
0xc1: {  	(tm) =	ssettm $0x7FFFFFFF  }
tec
execute0_lowered:
.L_overlay_start_1:
0x0: {  	(tag) =	ssettag $0x1  }
0x1: {  	s7 =	rddreg [dreg:$0x0]  }
0x2: {  	s0 =	rddreg [dreg:$0x1]  }
0x3: {  	s3 =	srdreg.scid;
	s2 =	simm.s32 $0x0;
	s1 =	stileid.u32  }
0x4: {  	s10 =	simm.s32 $0x100;
	s11 =	simm.s32 $0x1;
	s12 =	simm.s32 $0x900  }
0x5: {  	s13 =	simm.s32 $0x1100;
	s14 =	simm.s32 $0x1900;
	s15 =	simm.s32 $0x2100  }
0x6: {  	s16 =	simm.s32 $0x2900;
	s17 =	simm.s32 $0x3100;
	s18 =	simm.s32 $0x3900  }
0x7: {  	s19 =	simm.s32 $0x4100;
	s20 =	simm.s32 $0x4900;
	s21 =	simm.s32 $0x5100  }
0x8: {  	s22 =	simm.s32 $0x5900;
	s23 =	simm.s32 $0x6100;
	s24 =	simm.s32 $0x6900  }
0x9: {  	s25 =	simm.s32 $0x7100;
	s26 =	simm.s32 $0x7900;
	s3 =	sand.u32 $0x1, s3  }
0xa: {  	[smem:$0x7FF] =	sst s2;
	s4 =	sshll.u32 s1, $0x7;
	s5 =	sshll.u32 s3, $0x6  }
0xb: {  	_ =	strace $0x80000047;
	s6 =	ssub.s32 $0x2, s3;
	s4 =	sor.u32 s5, s4  }
0xc: {  	s31 =	sshrl.u32 s6, $0x1;
	s5 =	sshll.u32 s4, $0x6;
	s30 =	sshrl.u32 s4, $0x3  }
0xd: {  	v2 =	vlaneseq.u32;
	s4 =	sadd.s32 $0x20400, s7;
	s9 =	ssub.s32 s6, s31;
	s3 =	sadd.s32 s7, s30  }
0xe: {  	vm0 =	vmmov $0xffff;
	v1 =	vshrl.u32 v2, $0x3;
	s8 =	sadd.s32 s5, s7;
	s7 =	sadd.s32 $0x20500, s7;
	s5 =	sadd.s32 $0x200, s3  }
0xf: {  	v0 =	vand.u32 $0x7, v2;
	v2 =	vor.u32 $0x8, v2;
	v1 =	vmul.u32 $0x8, v1;
	s6 =	sadd.s32 $0x400, s8;
	s8 =	smax.u32 s9, $0x1;
	s9 =	simm.s32 $0x80  }
.LBB2_1:
0x10: {  	[tilespmem:s2], [sflag:$0x1] =	stream.linear.gather [hbm4b:s3+s2], $0x40, $0x38;
	[tilespmem:$0x8100] =	vst v63  }
0x11: {  	_ = 	snop  }
0x12: {  	[tilespmem:s9], [sflag:$0x1] =	stream.linear.gather [hbm4b:s5+s2], $0x40, $0x38;
	[tilespmem:$0x8100] =	vst v63  }
0x13: {  	_ = 	snop  }
0x14: {  	[tilespmem:s10], [sflag:$0x1] =	stream.linear.gather [hbm4b:s6+s2], $0x8000, $0x38;
	[tilespmem:$0x8100] =	vst v63  }
0x15: {  	_ =	swait.ge [sflag:s11], $0x40  }
0x16: {  	[sflag:s11] =	ssyncset.done $0x0  }
0x17: {  	[sflag:s11] =	ssyncadd.s32 $0xFFFFFFC0  }
0x18: {  	_ =	swait.ge [sflag:s11], $0x40  }
0x19: {  	[sflag:s11] =	ssyncset.done $0x0  }
0x1a: {  	[sflag:s11] =	ssyncadd.s32 $0xFFFFFFC0  }
0x1b: {  	_ =	swait.ge [sflag:s11], $0x8000  }
0x1c: {  	[sflag:s11] =	ssyncset.done $0x0  }
0x1d: {  	[sflag:s11] =	ssyncadd.s32 $0xFFFF8000  }
0x1e: {  	v3 =	vld [tilespmem:$0x0];
	_ =	sdelay $0x4  }
0x1f: {  	v4 =	vshll.u32 v3, $0x2  }
0x20: {  	v3 =	vand.u32 $0x7, v3;
	v4 =	vand.u32 $0xFFFFFFE0, v4  }
0x21: {  	v3 =	vor.u32 v3, v4  }
0x22: {  	v4 =	vperm.xlane v3, v0;
	_ =	sdelay $0x1  }
0x23: {  	v4 =	vadd.s32 v1, v4;
	_ =	sdelay $0x1  }
0x24: {  	v3 =	vperm.xlane v3, v2;
	_ =	sdelay $0x1  }
0x25: {  	v3 =	vadd.s32 v1, v3  }
0x26: {  	[hbm4b:s4+s2] =	stream.indirect_vreg.scatter [tilespmem:s10], [sflag:$0x1], $0x80, v4, vm0, $0xb8;
	[tilespmem:$0x8100] =	vst v63  }
0x27: {  	_ = 	snop  }
0x28: {  	[hbm4b:s7+s2] =	stream.indirect_vreg.scatter [tilespmem:s12], [sflag:$0x1], $0x80, v4, vm0, $0xb8;
	[tilespmem:$0x8100] =	vst v63  }
0x29: {  	_ = 	snop  }
0x2a: {  	[hbm4b:s4+s2] =	stream.indirect_vreg.scatter [tilespmem:s13], [sflag:$0x1], $0x80, v3, vm0, $0xb8;
	[tilespmem:$0x8100] =	vst v63  }
0x2b: {  	_ = 	snop  }
0x2c: {  	[hbm4b:s7+s2] =	stream.indirect_vreg.scatter [tilespmem:s14], [sflag:$0x1], $0x80, v3, vm0, $0xb8;
	[tilespmem:$0x8100] =	vst v63  }
0x2d: {  	v3 =	vld [tilespmem:$0x10];
	_ =	sdelay $0x4  }
0x2e: {  	v57 =	vshll.u32 v3, $0x2  }
0x2f: {  	v3 =	vand.u32 $0x7, v3;
	v4 =	vand.u32 $0xFFFFFFE0, v57  }
0x30: {  	v3 =	vor.u32 v3, v4  }
0x31: {  	v4 =	vperm.xlane v3, v0;
	_ =	sdelay $0x1  }
0x32: {  	v4 =	vadd.s32 v1, v4;
	_ =	sdelay $0x1  }
0x33: {  	v3 =	vperm.xlane v3, v2;
	_ =	sdelay $0x1  }
0x34: {  	v3 =	vadd.s32 v1, v3  }
0x35: {  	[hbm4b:s4+s2] =	stream.indirect_vreg.scatter [tilespmem:s15], [sflag:$0x1], $0x80, v4, vm0, $0xb8;
	[tilespmem:$0x8100] =	vst v63  }
0x36: {  	_ = 	snop  }
0x37: {  	[hbm4b:s7+s2] =	stream.indirect_vreg.scatter [tilespmem:s16], [sflag:$0x1], $0x80, v4, vm0, $0xb8;
	[tilespmem:$0x8100] =	vst v63  }
0x38: {  	_ = 	snop  }
0x39: {  	[hbm4b:s4+s2] =	stream.indirect_vreg.scatter [tilespmem:s17], [sflag:$0x1], $0x80, v3, vm0, $0xb8;
	[tilespmem:$0x8100] =	vst v63  }
0x3a: {  	_ = 	snop  }
0x3b: {  	[hbm4b:s7+s2] =	stream.indirect_vreg.scatter [tilespmem:s18], [sflag:$0x1], $0x80, v3, vm0, $0xb8;
	[tilespmem:$0x8100] =	vst v63  }
0x3c: {  	v3 =	vld [tilespmem:$0x20];
	_ =	sdelay $0x4  }
0x3d: {  	v58 =	vshll.u32 v3, $0x2  }
0x3e: {  	v3 =	vand.u32 $0x7, v3;
	v4 =	vand.u32 $0xFFFFFFE0, v58  }
0x3f: {  	v3 =	vor.u32 v3, v4  }
0x40: {  	v4 =	vperm.xlane v3, v0;
	_ =	sdelay $0x1  }
0x41: {  	v4 =	vadd.s32 v1, v4;
	_ =	sdelay $0x1  }
0x42: {  	v3 =	vperm.xlane v3, v2;
	_ =	sdelay $0x1  }
0x43: {  	v3 =	vadd.s32 v1, v3  }
0x44: {  	[hbm4b:s4+s2] =	stream.indirect_vreg.scatter [tilespmem:s19], [sflag:$0x1], $0x80, v4, vm0, $0xb8;
	[tilespmem:$0x8100] =	vst v63  }
0x45: {  	_ = 	snop  }
0x46: {  	[hbm4b:s7+s2] =	stream.indirect_vreg.scatter [tilespmem:s20], [sflag:$0x1], $0x80, v4, vm0, $0xb8;
	[tilespmem:$0x8100] =	vst v63  }
0x47: {  	_ = 	snop  }
0x48: {  	[hbm4b:s4+s2] =	stream.indirect_vreg.scatter [tilespmem:s21], [sflag:$0x1], $0x80, v3, vm0, $0xb8;
	[tilespmem:$0x8100] =	vst v63  }
0x49: {  	_ = 	snop  }
0x4a: {  	[hbm4b:s7+s2] =	stream.indirect_vreg.scatter [tilespmem:s22], [sflag:$0x1], $0x80, v3, vm0, $0xb8;
	[tilespmem:$0x8100] =	vst v63  }
0x4b: {  	v3 =	vld [tilespmem:$0x30];
	_ =	sdelay $0x4  }
0x4c: {  	v59 =	vshll.u32 v3, $0x2  }
0x4d: {  	v3 =	vand.u32 $0x7, v3;
	v4 =	vand.u32 $0xFFFFFFE0, v59  }
0x4e: {  	v3 =	vor.u32 v3, v4  }
0x4f: {  	v4 =	vperm.xlane v3, v0;
	_ =	sdelay $0x1  }
0x50: {  	v4 =	vadd.s32 v1, v4;
	_ =	sdelay $0x1  }
0x51: {  	v3 =	vperm.xlane v3, v2;
	_ =	sdelay $0x1  }
0x52: {  	v3 =	vadd.s32 v1, v3  }
0x53: {  	[hbm4b:s4+s2] =	stream.indirect_vreg.scatter [tilespmem:s23], [sflag:$0x1], $0x80, v4, vm0, $0xb8;
	[tilespmem:$0x8100] =	vst v63  }
0x54: {  	_ = 	snop  }
0x55: {  	[hbm4b:s7+s2] =	stream.indirect_vreg.scatter [tilespmem:s24], [sflag:$0x1], $0x80, v4, vm0, $0xb8;
	[tilespmem:$0x8100] =	vst v63  }
0x56: {  	_ = 	snop  }
0x57: {  	[hbm4b:s4+s2] =	stream.indirect_vreg.scatter [tilespmem:s25], [sflag:$0x1], $0x80, v3, vm0, $0xb8;
	[tilespmem:$0x8100] =	vst v63  }
0x58: {  	_ = 	snop  }
0x59: {  	[hbm4b:s7+s2] =	stream.indirect_vreg.scatter [tilespmem:s26], [sflag:$0x1], $0x80, v3, vm0, $0xb8;
	[tilespmem:$0x8100] =	vst v63  }
0x5a: {  	v3 =	vld [tilespmem:$0x80];
	_ =	sdelay $0x4  }
0x5b: {  	v60 =	vshll.u32 v3, $0x2  }
0x5c: {  	v3 =	vand.u32 $0x7, v3;
	v4 =	vand.u32 $0xFFFFFFE0, v60  }
0x5d: {  	v3 =	vor.u32 v3, v4  }
0x5e: {  	v4 =	vperm.xlane v3, v0;
	_ =	sdelay $0x1  }
0x5f: {  	v4 =	vadd.s32 v1, v4;
	_ =	sdelay $0x1  }
0x60: {  	v3 =	vperm.xlane v3, v2;
	_ =	sdelay $0x1  }
0x61: {  	v3 =	vadd.s32 v1, v3  }
0x62: {  	[hbm4b:s4+s2] =	stream.indirect_vreg.scatter [tilespmem:s10], [sflag:$0x1], $0x80, v4, vm0, $0xb8;
	[tilespmem:$0x8100] =	vst v63  }
0x63: {  	_ = 	snop  }
0x64: {  	[hbm4b:s7+s2] =	stream.indirect_vreg.scatter [tilespmem:s12], [sflag:$0x1], $0x80, v4, vm0, $0xb8;
	[tilespmem:$0x8100] =	vst v63  }
0x65: {  	_ = 	snop  }
0x66: {  	[hbm4b:s4+s2] =	stream.indirect_vreg.scatter [tilespmem:s13], [sflag:$0x1], $0x80, v3, vm0, $0xb8;
	[tilespmem:$0x8100] =	vst v63  }
0x67: {  	_ = 	snop  }
0x68: {  	[hbm4b:s7+s2] =	stream.indirect_vreg.scatter [tilespmem:s14], [sflag:$0x1], $0x80, v3, vm0, $0xb8;
	[tilespmem:$0x8100] =	vst v63  }
0x69: {  	v3 =	vld [tilespmem:$0x90];
	_ =	sdelay $0x4  }
0x6a: {  	v61 =	vshll.u32 v3, $0x2  }
0x6b: {  	v3 =	vand.u32 $0x7, v3;
	v4 =	vand.u32 $0xFFFFFFE0, v61  }
0x6c: {  	v3 =	vor.u32 v3, v4  }
0x6d: {  	v4 =	vperm.xlane v3, v0;
	_ =	sdelay $0x1  }
0x6e: {  	v4 =	vadd.s32 v1, v4;
	_ =	sdelay $0x1  }
0x6f: {  	v3 =	vperm.xlane v3, v2;
	_ =	sdelay $0x1  }
0x70: {  	v3 =	vadd.s32 v1, v3  }
0x71: {  	[hbm4b:s4+s2] =	stream.indirect_vreg.scatter [tilespmem:s15], [sflag:$0x1], $0x80, v4, vm0, $0xb8;
	[tilespmem:$0x8100] =	vst v63  }
0x72: {  	_ = 	snop  }
0x73: {  	[hbm4b:s7+s2] =	stream.indirect_vreg.scatter [tilespmem:s16], [sflag:$0x1], $0x80, v4, vm0, $0xb8;
	[tilespmem:$0x8100] =	vst v63  }
0x74: {  	_ = 	snop  }
0x75: {  	[hbm4b:s4+s2] =	stream.indirect_vreg.scatter [tilespmem:s17], [sflag:$0x1], $0x80, v3, vm0, $0xb8;
	[tilespmem:$0x8100] =	vst v63  }
0x76: {  	_ = 	snop  }
0x77: {  	[hbm4b:s7+s2] =	stream.indirect_vreg.scatter [tilespmem:s18], [sflag:$0x1], $0x80, v3, vm0, $0xb8;
	[tilespmem:$0x8100] =	vst v63  }
0x78: {  	v3 =	vld [tilespmem:$0xA0];
	_ =	sdelay $0x4  }
0x79: {  	v62 =	vshll.u32 v3, $0x2  }
0x7a: {  	v3 =	vand.u32 $0x7, v3;
	v4 =	vand.u32 $0xFFFFFFE0, v62  }
0x7b: {  	v3 =	vor.u32 v3, v4  }
0x7c: {  	v4 =	vperm.xlane v3, v0;
	_ =	sdelay $0x1  }
0x7d: {  	v4 =	vadd.s32 v1, v4;
	_ =	sdelay $0x1  }
0x7e: {  	v3 =	vperm.xlane v3, v2;
	_ =	sdelay $0x1  }
0x7f: {  	v3 =	vadd.s32 v1, v3  }
0x80: {  	[hbm4b:s4+s2] =	stream.indirect_vreg.scatter [tilespmem:s19], [sflag:$0x1], $0x80, v4, vm0, $0xb8;
	[tilespmem:$0x8100] =	vst v63  }
0x81: {  	_ = 	snop  }
0x82: {  	[hbm4b:s7+s2] =	stream.indirect_vreg.scatter [tilespmem:s20], [sflag:$0x1], $0x80, v4, vm0, $0xb8;
	[tilespmem:$0x8100] =	vst v63  }
0x83: {  	_ = 	snop  }
0x84: {  	[hbm4b:s4+s2] =	stream.indirect_vreg.scatter [tilespmem:s21], [sflag:$0x1], $0x80, v3, vm0, $0xb8;
	[tilespmem:$0x8100] =	vst v63  }
0x85: {  	_ = 	snop  }
0x86: {  	[hbm4b:s7+s2] =	stream.indirect_vreg.scatter [tilespmem:s22], [sflag:$0x1], $0x80, v3, vm0, $0xb8;
	[tilespmem:$0x8100] =	vst v63  }
0x87: {  	v3 =	vld [tilespmem:$0xB0];
	_ =	sdelay $0x4  }
0x88: {  	v63 =	vshll.u32 v3, $0x2  }
0x89: {  	v3 =	vand.u32 $0x7, v3;
	v4 =	vand.u32 $0xFFFFFFE0, v63  }
0x8a: {  	v3 =	vor.u32 v3, v4  }
0x8b: {  	v4 =	vperm.xlane v3, v0;
	_ =	sdelay $0x1  }
0x8c: {  	v4 =	vadd.s32 v1, v4;
	_ =	sdelay $0x1  }
0x8d: {  	v3 =	vperm.xlane v3, v2;
	_ =	sdelay $0x1  }
0x8e: {  	v3 =	vadd.s32 v1, v3  }
0x8f: {  	[hbm4b:s4+s2] =	stream.indirect_vreg.scatter [tilespmem:s23], [sflag:$0x1], $0x80, v4, vm0, $0xb8;
	[tilespmem:$0x8100] =	vst v63  }
0x90: {  	_ = 	snop  }
0x91: {  	[hbm4b:s7+s2] =	stream.indirect_vreg.scatter [tilespmem:s24], [sflag:$0x1], $0x80, v4, vm0, $0xb8;
	[tilespmem:$0x8100] =	vst v63  }
0x92: {  	_ = 	snop  }
0x93: {  	[hbm4b:s4+s2] =	stream.indirect_vreg.scatter [tilespmem:s25], [sflag:$0x1], $0x80, v3, vm0, $0xb8;
	[tilespmem:$0x8100] =	vst v63  }
0x94: {  	_ = 	snop  }
0x95: {  	[hbm4b:s7+s2] =	stream.indirect_vreg.scatter [tilespmem:s26], [sflag:$0x1], $0x80, v3, vm0, $0xb8;
	[tilespmem:$0x8100] =	vst v63  }
0x96: {  	p0 =	sne.s32 s8, $0x1;
	_ =	swait.ge [sflag:s11], $0x8000  }
.Ltmp0:
0x97: {  	[sflag:s11] =	ssyncset.done $0x0;
	(pc) =	sbr.rel @p0 .LBB2_1-.Ltmp0, $4  }
0x98: {  	[sflag:s11] =	ssyncadd.s32 $0xFFFF8000  }
0x99: {  	_ =	swait.ge [sflag:s11], $0x8000  }
0x9a: {  	[sflag:s11] =	ssyncset.done $0x0  }
0x9b: {  	s8 =	sadd.s32 $0xFFFFFFFF, s8;
	[sflag:s11] =	ssyncadd.s32 $0xFFFF8000  }
0x9c: {  	_ =	sfence.sel $0x180000  }
0x9d: {  	[bflag:$0x0] =	sbarrier.arrive $0xFFFF  }
0x9e: {  	p0 =	sne.s32 s1, $0x0;
	_ =	strace $0x90000047  }
0x9f: {  	s0 =	sadd.s32 @!p0 $0x100000, s0;
	[bflag:$0x2] =	sbarrier.arrive $0xFFFF  }
0xa0: {  	[sflag:s0] =	ssyncadd.tile.s32 @!p0 $0x1;
	_ =	shalt  }
.Lfunc_end2:
_tile_overlayer_lowered:
.L_overlay_start_2:
0xa1: {  	(tag) =	ssettag $0x2  }
0xa2: {  	s0 =	rddreg [dreg:$0x0];
	s2 =	stileid.u32  }
0xa3: {  	s1 =	rddreg [dreg:$0x1];
	p0 =	sne.s32 s2, $0x0  }
0xa4: {  	s3 =	rddreg [dreg:$0x2];
	[bflag:$0x3] =	sbarrier.arrive $0xFFFF;
	s2 =	simm.s32 @!p0 $0x1C02  }
0xa5: {  	[timem:s3], [sflag:s2] =	dma.local @!p0 [hbm:s0], s1  }
0xa6: {  	s0 =	simm.s32 @!p0 $0x2  }
0xa7: {  	_ =	swait.ge @!p0 [sflag:s0], s1  }
0xa8: {  	s1 =	ssub.s32 @!p0 $0x0, s1;
	[sflag:s0] =	ssyncset.done @!p0 $0x0  }
0xa9: {  	[sflag:s0] =	ssyncadd.s32 @!p0 s1  }
0xaa: {  	[bflag:$0x3] =	sbarrier.arrive $0xFFFF  }
0xab: {  	_ =	shalt  }

// kernel: kernel.9.cloned.1.call-start
scs
__scs_entry_jumppad:
0x0: {  	(pc) =	sbr.rel $0x88, $3  }
0x1: {  	(tag) =	ssettag $0x0;
	lr =	simm.s32 $0x1  }
0x2: {  	[smem:$0x3F99] =	sst lr;
	_ =	strace $0xD0000000  }
0x3: {  	_ = 	snop  }
0x4: {  	_ = 	snop  }
0x5: {  	_ = 	snop  }
0x6: {  	_ = 	snop  }
0x7: {  	_ = 	snop  }
__scs_overlays_trampoline_lowered:
0x8: {  	[smem:$0x3FA8] =	sst s0  }
0x9: {  	[smem:$0x3FA9] =	sst s1  }
0xa: {  	[smem:$0x3FAA] =	sst s2  }
0xb: {  	[smem:$0x3FAB] =	sst s3  }
0xc: {  	[smem:$0x3FAC] =	sst s4  }
0xd: {  	[smem:$0x3FAD] =	sst s5  }
0xe: {  	[smem:$0x3FAE] =	sst s6  }
0xf: {  	[smem:$0x3FAF] =	sst s7  }
0x10: {  	[smem:$0x3FB0] =	sst s8  }
0x11: {  	[smem:$0x3FB1] =	sst s9;
	s0 =	simm.s32 @!p0 $0x0  }
0x12: {  	s1 =	sld [smem:$0x3F97];
	s0 =	simm.s32 @p0 $0x1  }
0x13: {  	[smem:$0x3FB2] =	sst s0;
	s0 =	simm.s32 @!p1 $0x0  }
0x14: {  	s2 =	sld [smem:$0x3F96];
	s0 =	simm.s32 @p1 $0x1  }
0x15: {  	[smem:$0x3FB3] =	sst s0;
	s0 =	simm.s32 @!p2 $0x0  }
0x16: {  	s3 =	sld [smem:$0x3FDB];
	s0 =	simm.s32 @p2 $0x1  }
0x17: {  	s4 =	simm.s32 $0x1BF5;
	[smem:$0x3FB5] =	sst s0  }
0x18: {  	s0 =	sld [smem:$0x3F98];
	_ =	swait.ge [sflag:s4], $0x0  }
0x19: {  	s7 =	sld [smem:$0x3F99]  }
0x1a: {  	s8 =	sadd.s32 $0xFFFFE003, lr  }
0x1b: {  	s9 =	sadd.s32 $0xFFFFFEF7, lr;
	s5 =	simm.s32 $0xFFFFFFFF;
	p2 =	slt.u32 s8, $0xFFFFF086  }
0x1c: {  	p1 =	slt.u32 s9, $0xF7A;
	s5 =	simm.s32 @!p2 $0x0  }
0x1d: {  	s5 =	simm.s32 @p1 $0x1;
	p0 =	seq.s32 s7, s2  }
0x1e: {  	s7 =	smul.u32 @!p0 $0xF7A, s2;
	p2 =	seq.s32 @!p0 s5, $0x0  }
0x1f: {  	s9 =	smul.u32 $0xF7A, s1;
	s8 =	simm.s32 @!p0 $0x1BF5;
	p2 =	por !p2, p0  }
0x20: {  	[sflag:s8] =	ssyncset.s32 @!p0 $0xFFFFF086;
	s6 =	sadd.s32 @!p0 s3, s7;
	s7 =	simm.s32 @!p0 $0x108  }
0x21: {  	s3 =	sadd.s32 s3, s9;
	s6 =	sadd.s32 @!p0 $0x88, s6;
	s7 =	simm.s32 @p2 $0x1082  }
0x22: {  	[simem:s7], [sflag:s8] =	dma.local @!p0 [hbm:s6], $0xF7A  }
0x23: {  	s9 =	sor.u32 $0xD0000000, s2;
	s6 =	simm.s32 $0x108;
	_ =	swait.ge @!p0 [sflag:s8], $0x0  }
0x24: {  	s3 =	sadd.s32 $0x88, s3;
	s6 =	simm.s32 @!p1 $0x1082;
	[sflag:s4] =	ssyncset.s32 $0xFFFFF086  }
0x25: {  	[simem:s6], [sflag:s4] =	dma.local [hbm:s3], $0xF7A  }
0x26: {  	[smem:$0x3F99] =	sst s1;
	(tag) =	ssettag s2;
	_ =	strace s9  }
0x27: {  	s1 =	sld [smem:$0x3FA9]  }
0x28: {  	s2 =	sld [smem:$0x3FAA]  }
0x29: {  	s4 =	sld [smem:$0x3FAC]  }
0x2a: {  	p0 =	seq.s32 s5, $0x0;
	s5 =	sld [smem:$0x3FAD]  }
0x2b: {  	s6 =	sld [smem:$0x3FAE]  }
0x2c: {  	s7 =	sld [smem:$0x3FAF]  }
0x2d: {  	s3 =	simm.s32 $0x108;
	s8 =	sld [smem:$0x3FB0]  }
0x2e: {  	s3 =	simm.s32 @!p0 $0x1082;
	s9 =	sld [smem:$0x3FB1]  }
0x2f: {  	lr =	sadd.s32 s0, s3;
	s0 =	sld [smem:$0x3FA8]  }
0x30: {  	s3 =	sld [smem:$0x3FAB]  }
0x31: {  	[smem:$0x3FB4] =	sst s10  }
0x32: {  	s10 =	sld [smem:$0x3FB2];
	_ =	sdelay $0x3  }
0x33: {  	p0 =	seq.s32 s10, $0x1;
	s10 =	sld [smem:$0x3FB4];
	_ =	sdelay $0x3  }
0x34: {  	[smem:$0x3FB4] =	sst s10  }
0x35: {  	s10 =	sld [smem:$0x3FB3];
	_ =	sdelay $0x3  }
0x36: {  	p1 =	seq.s32 s10, $0x1;
	s10 =	sld [smem:$0x3FB4];
	_ =	sdelay $0x3  }
0x37: {  	[smem:$0x3FB4] =	sst s10  }
0x38: {  	s10 =	sld [smem:$0x3FB5]  }
0x39: {  	_ = 	snop;
	(pc) =	sbr.ind lr, $3  }
0x3a: {  	_ = 	snop  }
0x3b: {  	_ = 	snop  }
0x3c: {  	p2 =	seq.s32 s10, $0x1;
	s10 =	sld [smem:$0x3FB4]  }
0x3d: {  	_ =	shalt  }
0x3e: {  	_ =	shalt  }
0x3f: {  	_ =	shalt  }
0x40: {  	_ =	shalt  }
0x41: {  	_ =	shalt  }
0x42: {  	_ =	shalt  }
0x43: {  	_ =	shalt  }
0x44: {  	_ =	shalt  }
0x45: {  	_ =	shalt  }
0x46: {  	_ =	shalt  }
0x47: {  	_ =	shalt  }
0x48: {  	_ =	shalt  }
0x49: {  	_ =	shalt  }
0x4a: {  	_ =	shalt  }
0x4b: {  	_ =	shalt  }
0x4c: {  	_ =	shalt  }
0x4d: {  	_ =	shalt  }
0x4e: {  	_ =	shalt  }
0x4f: {  	_ =	shalt  }
0x50: {  	_ =	shalt  }
0x51: {  	_ =	shalt  }
0x52: {  	_ =	shalt  }
0x53: {  	_ =	shalt  }
0x54: {  	_ =	shalt  }
0x55: {  	_ =	shalt  }
0x56: {  	_ =	shalt  }
0x57: {  	_ =	shalt  }
0x58: {  	_ =	shalt  }
0x59: {  	_ =	shalt  }
0x5a: {  	_ =	shalt  }
0x5b: {  	_ =	shalt  }
0x5c: {  	_ =	shalt  }
0x5d: {  	_ =	shalt  }
0x5e: {  	_ =	shalt  }
0x5f: {  	_ =	shalt  }
0x60: {  	_ =	shalt  }
0x61: {  	_ =	shalt  }
0x62: {  	_ =	shalt  }
0x63: {  	_ =	shalt  }
0x64: {  	_ =	shalt  }
0x65: {  	_ =	shalt  }
0x66: {  	_ =	shalt  }
0x67: {  	_ =	shalt  }
0x68: {  	_ =	shalt  }
0x69: {  	_ =	shalt  }
0x6a: {  	_ =	shalt  }
0x6b: {  	_ =	shalt  }
0x6c: {  	_ =	shalt  }
0x6d: {  	_ =	shalt  }
0x6e: {  	_ =	shalt  }
0x6f: {  	_ =	shalt  }
0x70: {  	_ =	shalt  }
0x71: {  	_ =	shalt  }
0x72: {  	_ =	shalt  }
0x73: {  	_ =	shalt  }
0x74: {  	_ =	shalt  }
0x75: {  	_ =	shalt  }
0x76: {  	_ =	shalt  }
0x77: {  	_ =	shalt  }
0x78: {  	_ =	shalt  }
0x79: {  	_ =	shalt  }
0x7a: {  	_ =	shalt  }
0x7b: {  	_ =	shalt  }
0x7c: {  	_ =	shalt  }
0x7d: {  	_ =	shalt  }
0x7e: {  	_ =	shalt  }
0x7f: {  	_ =	shalt  }
0x80: {  	_ =	shalt  }
0x81: {  	_ =	shalt  }
0x82: {  	_ =	shalt  }
0x83: {  	_ =	shalt  }
0x84: {  	_ =	shalt  }
0x85: {  	_ =	shalt  }
0x86: {  	_ =	shalt  }
0x87: {  	_ =	shalt  }
.Lfunc_end0:
.L_simem_size_0:
called_computation.1_lowered:
.L_overlay_start_0:
0x88: {  	s2 =	sld [smem:$0x3FD9]  }
0x89: {  	s3 =	sld [smem:$0x3FFE];
	_ =	sdelay $0x1  }
0x8a: {  	s1 =	srdreg.scid  }
0x8b: {  	s0 =	sand.u32 $0x1, s1  }
0x8c: {  	s17 =	sshll.u32 s0, $0xA;
	s2 =	sadd.s32 s3, s2  }
0x8d: {  	s2 =	sadd.s32 s2, s17  }
0x8e: {  	[smem:$0x3FC0] =	sst s2  }
0x8f: {  	_ = 	snop  }
0x90: {  	s2 =	sld [smem:$0x3FD0];
	(tm) =	ssettm $0x1  }
0x91: {  	s18 =	sld [smem:$0x3FFB];
	_ =	sdelay $0x3  }
0x92: {  	_ =	strace s18  }
0x93: {  	s3 =	sld [smem:$0x3FFC];
	_ =	sdelay $0x3  }
0x94: {  	_ =	strace s3  }
0x95: {  	s3 =	sld [smem:$0x3FFD];
	_ =	sdelay $0x3  }
0x96: {  	_ =	strace s3  }
0x97: {  	_ =	strace $0x8FFFFFFF  }
0x98: {  	s19 =	sld [smem:$0x3FDB];
	_ =	sdelay $0x1  }
0x99: {  	s4 =	simm.s32 $_scs_section_size  }
0x9a: {  	s5 =	simm.s32 $_size__tile_overlayer_lowered;
	s6 =	simm.s32 $_tile_overlayer_lowered  }
0x9b: {  	s22 =	simm.s32 $0x1BFF;
	s21 =	sshll.u32 s6, $0x1;
	s3 =	sadd.s32 s4, s19  }
0x9c: {  	s7 =	simm.s32 $0x0;
	s20 =	sshll.u32 s5, $0x1;
	s5 =	sadd.s32 s21, s3  }
0x9d: {  	[timem:s7], [sflag:s22] =	dma.local [hbm:s5], s20  }
0x9e: {  	_ =	swait.ge [sflag:s22], s20  }
0x9f: {  	s4 =	ssub.s32 $0x0, s20;
	[sflag:s22] =	ssyncset.done $0x0  }
0xa0: {  	[sflag:s22] =	ssyncadd.s32 s4;
	_ =	sdelay $0x1  }
0xa1: {  	s23 =	simm.s32 $0x1B8B  }
0xa2: {  	_ =	swait.ge [sflag:s23], $0x1  }
0xa3: {  	[sflag:s23] =	ssyncset.done $0x0  }
0xa4: {  	s25 =	simm.s32 $0x1B8E;
	s24 =	sld [smem:$0x3FFE];
	[sflag:s23] =	ssyncadd.s32 $0xFFFFFFFF  }
0xa5: {  	s26 =	simm.s32 $execute0_lowered;
	[smem:$0x3FD2] =	sst s25  }
0xa6: {  	s5 =	sshll.u32 s26, $0x1;
	_ =	strace $0x80000049;
	[dreg:$0x1] =	wrdreg $0xFFFFFFFF  }
0xa7: {  	s28 =	simm.s32 $_size_execute0_lowered;
	s3 =	sadd.s32 s3, s5;
	[dreg:$0x0] =	wrdreg $0x0  }
0xa8: {  	s5 =	sshll.u32 s28, $0x1;
	[dreg:$0x2] =	wrdreg s3  }
0xa9: {  	[dreg:$0x3] =	wrdreg s5  }
0xaa: {  	[dreg:$0x4] =	wrdreg $0xC0  }
0xab: {  	_ =	task [dreg:s7], $0x5FFFF  }
0xac: {  	[dreg:$0x1] =	wrdreg $0xFFFFFFFF  }
0xad: {  	[dreg:$0x0] =	wrdreg $0x60  }
0xae: {  	[dreg:$0x2] =	wrdreg s24  }
0xaf: {  	[dreg:$0x3] =	wrdreg s2  }
0xb0: {  	[dreg:$0x4] =	wrdreg $0x9  }
0xb1: {  	_ =	task.clear_ibuf [dreg:s7], $0x5FFFF;
	_ =	strace $0x90000049  }
0xb2: {  	s29 =	simm.s32 $0x9;
	_ =	strace $0x8000004B  }
0xb3: {  	_ =	swait.ge [sflag:s29], $0x1  }
0xb4: {  	[sflag:s29] =	ssyncadd.s32 $0xFFFFFFFF  }
0xb5: {  	_ =	strace $0x9000004B  }
0xb6: {  	_ =	sfence  }
0xb7: {  	s30 =	sld [smem:$0x0];
	_ =	sdelay $0x2  }
0xb8: {  	s31 =	sshll.u32 s1, $0xD;
	s1 =	sshrl.u32 s1, $0x2  }
0xb9: {  	s3 =	sand.u32 $0x4000, s31;
	s1 =	sadd.s32 s1, s30  }
0xba: {  	s0 =	sor.u32 s3, s0;
	s1 =	sshll.u32 s1, $0x11  }
0xbb: {  	s0 =	sor.u32 s1, s0  }
0xbc: {  	s0 =	sadd.s32 $0x8F2B, s0  }
0xbd: {  	[sflag:s0] =	ssyncadd.remote.s32 $0x1  }
0xbe: {  	_ =	sfence.sel $0xFFFF  }
0xbf: {  	[dreg:$0x0] =	wrdreg $0xFFFFFFFF;
	(pc) =	sbr.abs _section_cstart, $3  }
0xc0: {  	[dreg:$0x1] =	wrdreg $0xFFFFFFFF  }
0xc1: {  	_ =	task.clear_ibuf [dreg:s7], $0x2FFFF;
	_ =	strace $0x9FFFFFFF  }
0xc2: {  	(tm) =	ssettm $0x7FFFFFFF  }
0xc3: {  	_ =	shalt  }
tec
execute0_lowered:
.L_overlay_start_1:
0x0: {  	(tag) =	ssettag $0x1  }
0x1: {  	s11 =	rddreg [dreg:$0x0]  }
0x2: {  	s16 =	rddreg [dreg:$0x1];
	s2 =	srdreg.scid  }
0x3: {  	s0 =	rddreg [dreg:$0x2];
	s1 =	stileid.u32;
	s17 =	sand.u32 $0x1, s2  }
0x4: {  	s2 =	simm.s32 $0x0;
	s3 =	sshll.u32 s1, $0x4;
	s4 =	sshll.u32 s17, $0x3  }
0x5: {  	[smem:$0x7FF] =	sst s2;
	s18 =	sor.u32 s4, s3  }
0x6: {  	_ =	strace $0x8000004A;
	s3 =	simm.s32 $0x2;
	s4 =	sadd.s32 s11, s18  }
0x7: {  	[tilespmem:s2], [sflag:$0x2] =	stream.linear.gather [hbm4b:s4+s2], $0x40, $0x38;
	[tilespmem:$0x380] =	vst v63  }
0x8: {  	_ =	swait.ge [sflag:s3], $0x40  }
0x9: {  	[sflag:s3] =	ssyncset.done $0x0  }
0xa: {  	s6 =	simm.s32 $0x80;
	s5 =	sadd.s32 $0x200, s4;
	[sflag:s3] =	ssyncadd.s32 $0xFFFFFFC0  }
0xb: {  	[tilespmem:s6], [sflag:$0x2] =	stream.linear.gather [hbm4b:s5+s2], $0x40, $0x38;
	[tilespmem:$0x380] =	vst v63  }
0xc: {  	_ =	swait.ge [sflag:s3], $0x40  }
0xd: {  	[sflag:s3] =	ssyncset.done $0x0  }
0xe: {  	s8 =	simm.s32 $0x100;
	s7 =	sadd.s32 $0x80400, s4;
	[sflag:s3] =	ssyncadd.s32 $0xFFFFFFC0  }
0xf: {  	[tilespmem:s8], [sflag:$0x2] =	stream.linear.gather [hbm4b:s7+s2], $0x40, $0x38;
	[tilespmem:$0x380] =	vst v63  }
0x10: {  	_ =	swait.ge [sflag:s3], $0x40  }
0x11: {  	[sflag:s3] =	ssyncset.done $0x0  }
0x12: {  	s10 =	simm.s32 $0x180;
	s9 =	sadd.s32 $0x80600, s4;
	[sflag:s3] =	ssyncadd.s32 $0xFFFFFFC0  }
0x13: {  	[tilespmem:s10], [sflag:$0x2] =	stream.linear.gather [hbm4b:s9+s2], $0x40, $0x38;
	[tilespmem:$0x380] =	vst v63  }
0x14: {  	_ =	swait.ge [sflag:s3], $0x40  }
0x15: {  	s12 =	simm.s32 $0x40;
	[sflag:s3] =	ssyncset.done $0x0  }
0x16: {  	s13 =	simm.s32 $0x200;
	s11 =	sadd.s32 $0x400, s11;
	[sflag:s3] =	ssyncadd.s32 $0xFFFFFFC0  }
0x17: {  	[tilespmem:s13], [sflag:$0x1] =	stream.indirect.gather [hbm4b:s11+s12], $0x1, s2, s12, $0xb8;
	[tilespmem:$0x380] =	vst v63  }
0x18: {  	s14 =	simm.s32 $0x280;
	s15 =	simm.s32 $0x1  }
0x19: {  	[tilespmem:s14], [sflag:$0x1] =	stream.indirect.gather [hbm4b:s11+s12], $0x1, s6, s12, $0xb8;
	[tilespmem:$0x380] =	vst v63  }
0x1a: {  	_ =	swait.ge [sflag:s15], $0x40  }
0x1b: {  	[sflag:s15] =	ssyncset.done $0x0  }
0x1c: {  	[sflag:s15] =	ssyncadd.s32 $0xFFFFFFC0  }
0x1d: {  	_ =	swait.ge [sflag:s15], $0x40  }
0x1e: {  	[sflag:s15] =	ssyncset.done $0x0  }
0x1f: {  	[sflag:s15] =	ssyncadd.s32 $0xFFFFFFC0  }
0x20: {  	v0 =	vld [tilespmem:$0x2B0]  }
0x21: {  	s17 =	ssub.s32 $0x2, s17;
	v7 =	vld [tilespmem:$0x2A0]  }
0x22: {  	s19 =	sshrl.u32 s17, $0x1;
	v8 =	vld [tilespmem:$0x1A0]  }
0x23: {  	s17 =	ssub.s32 s17, s19;
	v1 =	vld [tilespmem:$0x220]  }
0x24: {  	s19 =	smax.u32 s17, $0x1;
	v3 =	vld [tilespmem:$0x120]  }
0x25: {  	p0 =	sne.s32 s19, $0x1;
	v2 =	vld [tilespmem:$0x210]  }
.Ltmp0:
0x26: {  	v4 =	vld [tilespmem:$0x290];
	(pc) =	sbr.rel @!p0 .LBB2_2-.Ltmp0, $4  }
0x27: {  	v6 =	vld [tilespmem:$0x190]  }
0x28: {  	v5 =	vld [tilespmem:$0x280]  }
0x29: {  	v9 =	vld [tilespmem:$0x110]  }
0x2a: {  	s16 =	sadd.s32 s16, s18;
	s17 =	simm.s32 $0x300;
	s18 =	sadd.s32 $0xFFFFFFFF, s19;
	v7 =	vmul.f32 v7, v8;
	v8 =	vld [tilespmem:$0x200]  }
.LBB2_1:
0x2b: {  	p0 =	sne.s32 s18, $0x1;
	s18 =	sadd.s32 $0xFFFFFFFF, s18;
	v10 =	vld [tilespmem:$0x230]  }
0x2c: {  	v11 =	vld [tilespmem:$0x180]  }
0x2d: {  	v12 =	vld [tilespmem:$0x1B0]  }
0x2e: {  	v13 =	vld [tilespmem:$0x100]  }
0x2f: {  	v1 =	vmul.f32 v1, v3;
	v3 =	vld [tilespmem:$0x130];
	_ =	sdelay $0x1  }
0x30: {  	v4 =	vmul.f32 v4, v6;
	v1 =	vadd.f32 v7, v1;
	v2 =	vmul.f32 v2, v9  }
0x31: {  	v0 =	vmul.f32 v0, v12  }
0x32: {  	v2 =	vadd.f32 v4, v2;
	v5 =	vmul.f32 v5, v11;
	v6 =	vmul.f32 v8, v13;
	[tilespmem:$0x320] =	vst v1  }
0x33: {  	v1 =	vmul.f32 v10, v3  }
0x34: {  	v3 =	vadd.f32 v5, v6;
	[tilespmem:$0x310] =	vst v2  }
0x35: {  	v0 =	vadd.f32 v0, v1  }
0x36: {  	[tilespmem:$0x300] =	vst v3  }
0x37: {  	[tilespmem:$0x330] =	vst v0  }
0x38: {  	[hbm4b:s16+s2] =	stream.linear.scatter [tilespmem:s17], [sflag:$0x2], $0x40, $0x38;
	[tilespmem:$0x380] =	vst v63  }
0x39: {  	_ =	swait.ge [sflag:s3], $0x40  }
0x3a: {  	[sflag:s3] =	ssyncset.done $0x0  }
0x3b: {  	[sflag:s3] =	ssyncadd.s32 $0xFFFFFFC0  }
0x3c: {  	[tilespmem:s2], [sflag:$0x2] =	stream.linear.gather [hbm4b:s4+s2], $0x40, $0x38;
	[tilespmem:$0x380] =	vst v63  }
0x3d: {  	_ =	swait.ge [sflag:s3], $0x40  }
0x3e: {  	[sflag:s3] =	ssyncset.done $0x0  }
0x3f: {  	[sflag:s3] =	ssyncadd.s32 $0xFFFFFFC0  }
0x40: {  	[tilespmem:s6], [sflag:$0x2] =	stream.linear.gather [hbm4b:s5+s2], $0x40, $0x38;
	[tilespmem:$0x380] =	vst v63  }
0x41: {  	_ =	swait.ge [sflag:s3], $0x40  }
0x42: {  	[sflag:s3] =	ssyncset.done $0x0  }
0x43: {  	[sflag:s3] =	ssyncadd.s32 $0xFFFFFFC0  }
0x44: {  	[tilespmem:s8], [sflag:$0x2] =	stream.linear.gather [hbm4b:s7+s2], $0x40, $0x38;
	[tilespmem:$0x380] =	vst v63  }
0x45: {  	_ =	swait.ge [sflag:s3], $0x40  }
0x46: {  	[sflag:s3] =	ssyncset.done $0x0  }
0x47: {  	[sflag:s3] =	ssyncadd.s32 $0xFFFFFFC0  }
0x48: {  	[tilespmem:s10], [sflag:$0x2] =	stream.linear.gather [hbm4b:s9+s2], $0x40, $0x38;
	[tilespmem:$0x380] =	vst v63  }
0x49: {  	_ =	swait.ge [sflag:s3], $0x40  }
0x4a: {  	[sflag:s3] =	ssyncset.done $0x0  }
0x4b: {  	[sflag:s3] =	ssyncadd.s32 $0xFFFFFFC0  }
0x4c: {  	[tilespmem:s13], [sflag:$0x1] =	stream.indirect.gather [hbm4b:s11+s12], $0x1, s2, s12, $0xb8;
	[tilespmem:$0x380] =	vst v63  }
0x4d: {  	_ = 	snop  }
0x4e: {  	[tilespmem:s14], [sflag:$0x1] =	stream.indirect.gather [hbm4b:s11+s12], $0x1, s6, s12, $0xb8;
	[tilespmem:$0x380] =	vst v63  }
0x4f: {  	_ =	swait.ge [sflag:s15], $0x40  }
0x50: {  	[sflag:s15] =	ssyncset.done $0x0  }
0x51: {  	[sflag:s15] =	ssyncadd.s32 $0xFFFFFFC0  }
0x52: {  	_ =	swait.ge [sflag:s15], $0x40  }
0x53: {  	[sflag:s15] =	ssyncset.done $0x0  }
0x54: {  	[sflag:s15] =	ssyncadd.s32 $0xFFFFFFC0  }
0x55: {  	v0 =	vld [tilespmem:$0x2B0]  }
0x56: {  	v5 =	vld [tilespmem:$0x2A0]  }
0x57: {  	v7 =	vld [tilespmem:$0x1A0]  }
0x58: {  	v1 =	vld [tilespmem:$0x220]  }
0x59: {  	v3 =	vld [tilespmem:$0x120]  }
0x5a: {  	v2 =	vld [tilespmem:$0x210]  }
.Ltmp1:
0x5b: {  	v4 =	vld [tilespmem:$0x290];
	(pc) =	sbr.rel @p0 .LBB2_1-.Ltmp1, $4  }
0x5c: {  	v6 =	vld [tilespmem:$0x190];
	v7 =	vmul.f32 v5, v7  }
0x5d: {  	v5 =	vld [tilespmem:$0x280]  }
0x5e: {  	v9 =	vld [tilespmem:$0x110]  }
0x5f: {  	v8 =	vld [tilespmem:$0x200]  }
.LBB2_2:
0x60: {  	v10 =	vld [tilespmem:$0x230]  }
0x61: {  	v11 =	vld [tilespmem:$0x180]  }
0x62: {  	v12 =	vld [tilespmem:$0x1B0]  }
0x63: {  	v13 =	vld [tilespmem:$0x100]  }
0x64: {  	v14 =	vld [tilespmem:$0x130];
	_ =	sdelay $0x1  }
0x65: {  	v1 =	vmul.f32 v1, v3  }
0x66: {  	v60 =	vmul.f32 v4, v6;
	v2 =	vmul.f32 v2, v9  }
0x67: {  	v1 =	vadd.f32 v7, v1;
	v61 =	vmul.f32 v8, v13;
	v5 =	vmul.f32 v5, v11  }
0x68: {  	v0 =	vmul.f32 v0, v12;
	v2 =	vadd.f32 v60, v2;
	v62 =	vmul.f32 v10, v14  }
0x69: {  	[tilespmem:$0x320] =	vst v1;
	v63 =	vadd.f32 v5, v61  }
0x6a: {  	[tilespmem:$0x310] =	vst v2;
	v0 =	vadd.f32 v0, v62  }
0x6b: {  	[tilespmem:$0x300] =	vst v63  }
0x6c: {  	[tilespmem:$0x330] =	vst v0  }
0x6d: {  	[hbm4b:s16+s2] =	stream.linear.scatter [tilespmem:s17], [sflag:$0x2], $0x40, $0x38;
	[tilespmem:$0x380] =	vst v63  }
0x6e: {  	_ =	swait.ge [sflag:s3], $0x40  }
0x6f: {  	[sflag:s3] =	ssyncset.done $0x0  }
0x70: {  	[sflag:s3] =	ssyncadd.s32 $0xFFFFFFC0  }
0x71: {  	_ =	sfence.sel $0x180000  }
0x72: {  	[bflag:$0x0] =	sbarrier.arrive $0xFFFF  }
0x73: {  	p0 =	sne.s32 s1, $0x0;
	_ =	strace $0x9000004A  }
0x74: {  	s0 =	sadd.s32 @!p0 $0x100000, s0;
	[bflag:$0x2] =	sbarrier.arrive $0xFFFF  }
0x75: {  	[sflag:s0] =	ssyncadd.tile.s32 @!p0 $0x1;
	_ =	shalt  }
.Lfunc_end2:
_tile_overlayer_lowered:
.L_overlay_start_2:
0x76: {  	(tag) =	ssettag $0x2  }
0x77: {  	s0 =	rddreg [dreg:$0x0];
	s2 =	stileid.u32  }
0x78: {  	s1 =	rddreg [dreg:$0x1];
	p0 =	sne.s32 s2, $0x0  }
0x79: {  	s3 =	rddreg [dreg:$0x2];
	[bflag:$0x3] =	sbarrier.arrive $0xFFFF;
	s2 =	simm.s32 @!p0 $0x1C02  }
0x7a: {  	[timem:s3], [sflag:s2] =	dma.local @!p0 [hbm:s0], s1  }
0x7b: {  	s0 =	simm.s32 @!p0 $0x2  }
0x7c: {  	_ =	swait.ge @!p0 [sflag:s0], s1  }
0x7d: {  	s1 =	ssub.s32 @!p0 $0x0, s1;
	[sflag:s0] =	ssyncset.done @!p0 $0x0  }
0x7e: {  	[sflag:s0] =	ssyncadd.s32 @!p0 s1  }
0x7f: {  	[bflag:$0x3] =	sbarrier.arrive $0xFFFF  }
0x80: {  	_ =	shalt  }

</sc_bundles>
